<compile_context>
chip_gen: v7x
topology: tpu7x:2x2x1
jax: 0.10.2.dev20260603
libtpu: 0.0.44.dev20260713+nightly
codegen_flags: <defaults>
</compile_context>

<pallas_src>
import functools

import jax
import jax.numpy as jnp
from jax import lax
from jax.experimental import pallas as pl
from jax.experimental.pallas import tpu as pltpu
from jax.experimental.pallas import tpu_sc as plsc

_K = 8
_DVAR = 1.0
_DDIST = 2.0
_NC = 2
_NS = 16
_NW = _NC * _NS
_L = 16


_BS = 129


def _make_seg_sum(b, d, h, w, hbase, sc_rows):
    rows = sc_rows // _NW
    qrows = 1
    nq = rows // qrows
    mesh = plsc.VectorSubcoreMesh(core_axis_name="c", subcore_axis_name="s")

    @functools.partial(
        pl.kernel, mesh=mesh,
        compiler_params=pltpu.CompilerParams(needs_layout_passes=False),
        out_type=jax.ShapeDtypeStruct((_NW, _K, d), jnp.float32),
        scratch_types=[
            pltpu.VMEM((rows, w), jnp.int32),
            pltpu.VMEM((2, d, qrows, w), jnp.float32),
            pltpu.VMEM((_L * _BS,), jnp.float32),
            pltpu.VMEM((_K, d), jnp.float32),
            pltpu.SemaphoreType.DMA,
            pltpu.SemaphoreType.DMA,
            pltpu.SemaphoreType.DMA,
        ],
    )
    def seg_sum(data_hbm, lab_hbm, out_hbm, lab_v, xbuf, acc, accsum,
                lsem, sem0, sem1):
        wid = lax.axis_index("s") * _NC + lax.axis_index("c")
        h0 = hbase + wid * rows
        lab_cp = pltpu.async_copy(lab_hbm.at[b - 1, pl.ds(h0, rows), :],
                                  lab_v, lsem)
        for t in range(_L * _BS // _L):
            acc[pl.ds(t * _L, _L)] = jnp.zeros((_L,), jnp.float32)
        sems = (sem0, sem1)
        pend = pltpu.async_copy(data_hbm.at[b - 1, :, pl.ds(h0, qrows), :],
                                xbuf.at[0], sems[0])
        lab_cp.wait()
        bank = lax.iota(jnp.int32, _L) * _BS

        for q in range(nq):
            pend.wait()
            if q + 1 < nq:
                pend = pltpu.async_copy(
                    data_hbm.at[b - 1, :, pl.ds(h0 + (q + 1) * qrows, qrows), :],
                    xbuf.at[(q + 1) % 2], sems[(q + 1) % 2])
            buf = q % 2

            def row_body(i, _, q=q, buf=buf):
                def px_body(j, _):
                    lv = lab_v[q * qrows + i, pl.ds(j * _L, _L)]
                    idx = lv * d + bank
                    for dd in range(d):
                        v = xbuf[buf, dd, i, pl.ds(j * _L, _L)]
                        plsc.addupdate_scatter(acc, [idx + dd], v)
                    return 0
                lax.fori_loop(0, w // _L, px_body, 0)
                return 0
            lax.fori_loop(0, qrows, row_body, 0)

        for r in range(_K * d // _L):
            s = acc[pl.ds(r * _L, _L)]
            for k in range(1, _L):
                s = s + acc[pl.ds(k * _BS + r * _L, _L)]
            accsum[r, :] = s
        pltpu.sync_copy(accsum, out_hbm.at[wid])

    return seg_sum


def _tc_sums_body(lab_ref, x_ref, out_ref, acc_ref):
    c = pl.program_id(0)
    nc = pl.num_programs(0)
    x = x_ref[0]
    lab = lab_ref[0]
    d, hc, w = x.shape
    onehot = (lax.broadcasted_iota(jnp.int32, (_K, hc, w), 0) ==
              lab[None]).astype(jnp.float32).reshape(_K, hc * w)
    x2 = x.reshape(d, hc * w)

    @pl.when(c == 0)
    def _init():
        acc_ref[...] = jnp.zeros_like(acc_ref)

    acc_ref[...] += lax.dot_general(
        onehot, x2, (((1,), (1,)), ((), ())),
        preferred_element_type=jnp.float32)

    @pl.when(c == nc - 1)
    def _fin():
        out_ref[...] = acc_ref[...]


def _tc_body(part_ref, tcs_ref, lab_ref, x_ref, out_ref, mu_ref, loss_ref):
    c = pl.program_id(0)
    nc = pl.num_programs(0)
    x = x_ref[0]
    lab = lab_ref[0]
    d, hc, w = x.shape
    n = hc * w * nc
    onehot = (lax.broadcasted_iota(jnp.int32, (_K, hc, w), 0) ==
              lab[None]).astype(jnp.float32).reshape(_K, hc * w)
    x = x.reshape(d, hc * w)

    @pl.when(c == 0)
    def _mid():
        mu = ((jnp.sum(part_ref[...], axis=0) + tcs_ref[...])
              * (1.0 / n))
        mu_ref[...] = mu
        g = lax.dot_general(mu, mu, (((1,), (1,)), ((), ())),
                            preferred_element_type=jnp.float32)
        eye = (lax.broadcasted_iota(jnp.int32, (_K, _K), 0) ==
               lax.broadcasted_iota(jnp.int32, (_K, _K), 1)).astype(jnp.float32)
        dr = jnp.sum(g * eye, axis=1, keepdims=True)
        dc = jnp.sum(g * eye, axis=0, keepdims=True)
        d2 = jnp.maximum(dr + dc - 2.0 * g, 0.0)
        dist = jnp.maximum(_DDIST - jnp.sqrt(d2), 0.0) ** 2
        loss_ref[0, 0] = jnp.sum(dist) / (_K - 1) / 2.0

    musel = lax.dot_general(
        mu_ref[...], onehot, (((0,), (0,)), ((), ())),
        preferred_element_type=jnp.float32)
    diff = x - musel
    r2 = jnp.sum(diff * diff, axis=0, keepdims=True)
    t = jnp.maximum(jnp.sqrt(r2) - _DVAR, 0.0) ** 2
    loss_ref[0, 0] += jnp.sum(t) / n

    @pl.when(c == nc - 1)
    def _fin():
        out_ref[...] = jnp.full((1, 1), loss_ref[0, 0], jnp.float32)


def kernel(data, labels):
    b, d, h, w = data.shape
    sc_rows = 32
    tc_rows = h - sc_rows
    partials = _make_seg_sum(b, d, h, w, tc_rows, sc_rows)(data, labels)
    tchunks = 10
    thc = tc_rows // tchunks
    tc_sums = pl.pallas_call(
        _tc_sums_body,
        grid=(tchunks,),
        in_specs=[
            pl.BlockSpec((1, thc, w), lambda c: (b - 1, c, 0)),
            pl.BlockSpec((1, d, thc, w), lambda c: (b - 1, 0, c, 0)),
        ],
        out_specs=pl.BlockSpec((_K, d), lambda c: (0, 0)),
        out_shape=jax.ShapeDtypeStruct((_K, d), jnp.float32),
        scratch_shapes=[pltpu.VMEM((_K, d), jnp.float32)],
        compiler_params=pltpu.CompilerParams(
            dimension_semantics=("arbitrary",)),
    )(labels, data)
    nchunks = 8
    hc = h // nchunks
    out = pl.pallas_call(
        _tc_body,
        grid=(nchunks,),
        in_specs=[
            pl.BlockSpec((_NW, _K, d), lambda c: (0, 0, 0)),
            pl.BlockSpec((_K, d), lambda c: (0, 0)),
            pl.BlockSpec((1, hc, w), lambda c: (b - 1, c, 0)),
            pl.BlockSpec((1, d, hc, w), lambda c: (b - 1, 0, c, 0)),
        ],
        out_specs=pl.BlockSpec((1, 1), lambda c: (0, 0)),
        out_shape=jax.ShapeDtypeStruct((1, 1), jnp.float32),
        scratch_shapes=[
            pltpu.VMEM((_K, d), jnp.float32),
            pltpu.SMEM((1, 1), jnp.float32),
        ],
        compiler_params=pltpu.CompilerParams(
            dimension_semantics=("arbitrary",)),
    )(partials, tc_sums, labels, data)
    return out[0, 0]

# --- scband reference (transcript-rebuilt; emitter-appended) ---
"""Pipeline reference for scband-discriminative-loss-23587960389730 (READ-ONLY COPY).

The authoritative reference and input builder live on the scoring server;
editing this copy changes nothing except your own understanding.
"""

import jax, jax.numpy as jnp
import numpy as np

NUM_CLUSTERS = 8
DELTA_VAR = 1.0
DELTA_DIST = 2.0
VAR_WEIGHT = 1.0
DIST_WEIGHT = 1.0


def setup_inputs(seed: int = 0) -> dict:
    key = jax.random.key(seed)
    k1, k2 = jax.random.split(key)
    data = jax.random.normal(k1, (4, 16, 512, 512), dtype=jnp.float32)
    labels = jax.random.randint(k2, (4, 512, 512), 0, NUM_CLUSTERS, dtype=jnp.int32)
    return {"data": data, "labels": labels}


def reference(data, labels):
    # Faithful translation of the torch forward: loops over the batch, but
    # (as in the original code, whose mu/vars lists are re-created each batch
    # iteration) only the LAST batch element's statistics survive the loop.
    batch_size, d, h, w = data.shape
    mus = []
    var_terms = []
    for batch_index in range(batch_size):
        X = data[batch_index].reshape(d, -1)
        L = labels[batch_index].reshape(-1)
        n = X.shape[1]
        mus = []
        var_terms = []
        for k in range(NUM_CLUSTERS):
            Lk = jnp.broadcast_to((L == k).astype(jnp.float32)[None, :], (d, n))
            Xk = X * Lk
            mu_k = Xk.sum(axis=1) / n
            mus.append(mu_k)
            resid = jnp.linalg.norm(Xk - mu_k[:, None] * Lk, axis=0)
            var_k = (jnp.clip(resid - DELTA_VAR, 0.0) ** 2).sum() / n
            var_terms.append(var_k)
    MU = jnp.stack(mus)
    dist_terms = [
        jnp.sum(jnp.clip(DELTA_DIST - jnp.linalg.norm(mus[k] - MU, axis=1), 0.0) ** 2 / (NUM_CLUSTERS - 1)) / 2.0
        for k in range(NUM_CLUSTERS)
    ]
    loss = VAR_WEIGHT * jnp.stack(var_terms).sum() + DIST_WEIGHT * jnp.stack(dist_terms).sum()
    return loss

if __name__ == "__main__":
    import jax
    _d = setup_inputs()
    print(jax.jit(kernel)(*tuple(_d.values())))

</pallas_src>

<mosaic_0001>
#map = affine_map<(d0, d1) -> (0, 0, 0, 0)>
#map1 = affine_map<(d0, d1) -> (0, 0, 0)>
module attributes {stable_mosaic.version = 14 : i64} {
  func.func @seg_sum(%arg0: i32, %arg1: i32, %arg2: memref<4x16x512x512xf32, #tpu.memory_space<hbm>>, %arg3: memref<4x512x512xi32, #tpu.memory_space<hbm>>, %arg4: memref<32x8x16xf32, #tpu.memory_space<hbm>>, %arg5: memref<1x512xi32, #tpu.memory_space<vmem>>, %arg6: memref<2x16x1x512xf32, #tpu.memory_space<vmem>>, %arg7: memref<2064xf32, #tpu.memory_space<vmem>>, %arg8: memref<8x16xf32, #tpu.memory_space<vmem>>, %arg9: memref<!tpu.dma_semaphore, #tpu.memory_space<semaphore_mem>>, %arg10: memref<!tpu.dma_semaphore, #tpu.memory_space<semaphore_mem>>, %arg11: memref<!tpu.dma_semaphore, #tpu.memory_space<semaphore_mem>>) attributes {dimension_semantics = [#tpu.dimension_semantics<core_parallel>, #tpu.dimension_semantics<subcore_parallel>], iteration_bounds = array<i64: 2, 16>, scalar_prefetch = 0 : i64, scratch_operands = 7 : i64, tpu.core_type = #tpu.core_type<sc_vector_subcore>, window_params = [{transform_indices = #map}, {transform_indices = #map1}, {transform_indices = #map1}]} {
    %mul3A = arith.constant 2 : i32
    %mul3A_0 = arith.muli %arg1, %mul3A : i32
    %add3A = arith.addi %mul3A_0, %arg0 : i32
    %mul3A_1 = arith.constant 1 : i32
    %mul3A_2 = arith.muli %add3A, %mul3A_1 : i32
    %add3A_3 = arith.constant 480 : i32
    %add3A_4 = arith.addi %add3A_3, %mul3A_2 : i32
    %dma_start3A = arith.constant 3 : i32
    %dma_start3A_5 = arith.constant 0 : i32
    %dma_start3A_6 = tpu.memref_slice %arg3[%dma_start3A, %add3A_4, %dma_start3A_5] : memref<4x512x512xi32, #tpu.memory_space<hbm>> -> memref<1x1x512xi32, #tpu.memory_space<hbm>>
    %dma_start3A_7 = tpu.memref_squeeze %dma_start3A_6 : memref<1x1x512xi32, #tpu.memory_space<hbm>> -> memref<1x512xi32, #tpu.memory_space<hbm>>
    %dma_start3A_8 = arith.constant 0 : i32
    %dma_start3A_9 = tpu.memref_slice %arg3[%dma_start3A, %add3A_4, %dma_start3A_8] : memref<4x512x512xi32, #tpu.memory_space<hbm>> -> memref<1x1x512xi32, #tpu.memory_space<hbm>>
    %dma_start3A_10 = tpu.memref_squeeze %dma_start3A_9 : memref<1x1x512xi32, #tpu.memory_space<hbm>> -> memref<1x512xi32, #tpu.memory_space<hbm>>
    tpu.enqueue_dma source(%dma_start3A_10 : memref<1x512xi32, #tpu.memory_space<hbm>>) target(%arg5 : memref<1x512xi32, #tpu.memory_space<vmem>>) target_semaphore(%arg9 : memref<!tpu.dma_semaphore, #tpu.memory_space<semaphore_mem>>)
    %broadcast_in_dim3A = arith.constant 0.000000e+00 : f32
    %broadcast_in_dim3A_11 = vector.broadcast %broadcast_in_dim3A : f32 to vector<16xf32>
    %swap3A = arith.constant 0 : index
    %swap3A_12 = tpu.vector_load %arg7[%swap3A] {strides = array<i32>} : memref<2064xf32, #tpu.memory_space<vmem>>, vector<16xf32>,
    tpu.vector_store %arg7[%swap3A], %broadcast_in_dim3A_11 {strides = array<i32>} : memref<2064xf32, #tpu.memory_space<vmem>>, vector<16xf32>,
    %broadcast_in_dim3A_13 = arith.constant 0.000000e+00 : f32
    %broadcast_in_dim3A_14 = vector.broadcast %broadcast_in_dim3A_13 : f32 to vector<16xf32>
    %swap3A_15 = arith.constant 16 : index
    %swap3A_16 = tpu.vector_load %arg7[%swap3A_15] {strides = array<i32>} : memref<2064xf32, #tpu.memory_space<vmem>>, vector<16xf32>,
    tpu.vector_store %arg7[%swap3A_15], %broadcast_in_dim3A_14 {strides = array<i32>} : memref<2064xf32, #tpu.memory_space<vmem>>, vector<16xf32>,
    %broadcast_in_dim3A_17 = arith.constant 0.000000e+00 : f32
    %broadcast_in_dim3A_18 = vector.broadcast %broadcast_in_dim3A_17 : f32 to vector<16xf32>
    %swap3A_19 = arith.constant 32 : index
    %swap3A_20 = tpu.vector_load %arg7[%swap3A_19] {strides = array<i32>} : memref<2064xf32, #tpu.memory_space<vmem>>, vector<16xf32>,
    tpu.vector_store %arg7[%swap3A_19], %broadcast_in_dim3A_18 {strides = array<i32>} : memref<2064xf32, #tpu.memory_space<vmem>>, vector<16xf32>,
    %broadcast_in_dim3A_21 = arith.constant 0.000000e+00 : f32
    %broadcast_in_dim3A_22 = vector.broadcast %broadcast_in_dim3A_21 : f32 to vector<16xf32>
    %swap3A_23 = arith.constant 48 : index
    %swap3A_24 = tpu.vector_load %arg7[%swap3A_23] {strides = array<i32>} : memref<2064xf32, #tpu.memory_space<vmem>>, vector<16xf32>,
    tpu.vector_store %arg7[%swap3A_23], %broadcast_in_dim3A_22 {strides = array<i32>} : memref<2064xf32, #tpu.memory_space<vmem>>, vector<16xf32>,
    %broadcast_in_dim3A_25 = arith.constant 0.000000e+00 : f32
    %broadcast_in_dim3A_26 = vector.broadcast %broadcast_in_dim3A_25 : f32 to vector<16xf32>
    %swap3A_27 = arith.constant 64 : index
    %swap3A_28 = tpu.vector_load %arg7[%swap3A_27] {strides = array<i32>} : memref<2064xf32, #tpu.memory_space<vmem>>, vector<16xf32>,
    tpu.vector_store %arg7[%swap3A_27], %broadcast_in_dim3A_26 {strides = array<i32>} : memref<2064xf32, #tpu.memory_space<vmem>>, vector<16xf32>,
    %broadcast_in_dim3A_29 = arith.constant 0.000000e+00 : f32
    %broadcast_in_dim3A_30 = vector.broadcast %broadcast_in_dim3A_29 : f32 to vector<16xf32>
    %swap3A_31 = arith.constant 80 : index
    %swap3A_32 = tpu.vector_load %arg7[%swap3A_31] {strides = array<i32>} : memref<2064xf32, #tpu.memory_space<vmem>>, vector<16xf32>,
    tpu.vector_store %arg7[%swap3A_31], %broadcast_in_dim3A_30 {strides = array<i32>} : memref<2064xf32, #tpu.memory_space<vmem>>, vector<16xf32>,
    %broadcast_in_dim3A_33 = arith.constant 0.000000e+00 : f32
    %broadcast_in_dim3A_34 = vector.broadcast %broadcast_in_dim3A_33 : f32 to vector<16xf32>
    %swap3A_35 = arith.constant 96 : index
    %swap3A_36 = tpu.vector_load %arg7[%swap3A_35] {strides = array<i32>} : memref<2064xf32, #tpu.memory_space<vmem>>, vector<16xf32>,
    tpu.vector_store %arg7[%swap3A_35], %broadcast_in_dim3A_34 {strides = array<i32>} : memref<2064xf32, #tpu.memory_space<vmem>>, vector<16xf32>,
    %broadcast_in_dim3A_37 = arith.constant 0.000000e+00 : f32
    %broadcast_in_dim3A_38 = vector.broadcast %broadcast_in_dim3A_37 : f32 to vector<16xf32>
    %swap3A_39 = arith.constant 112 : index
    %swap3A_40 = tpu.vector_load %arg7[%swap3A_39] {strides = array<i32>} : memref<2064xf32, #tpu.memory_space<vmem>>, vector<16xf32>,
    tpu.vector_store %arg7[%swap3A_39], %broadcast_in_dim3A_38 {strides = array<i32>} : memref<2064xf32, #tpu.memory_space<vmem>>, vector<16xf32>,
    %broadcast_in_dim3A_41 = arith.constant 0.000000e+00 : f32
    %broadcast_in_dim3A_42 = vector.broadcast %broadcast_in_dim3A_41 : f32 to vector<16xf32>
    %swap3A_43 = arith.constant 128 : index
    %swap3A_44 = tpu.vector_load %arg7[%swap3A_43] {strides = array<i32>} : memref<2064xf32, #tpu.memory_space<vmem>>, vector<16xf32>,
    tpu.vector_store %arg7[%swap3A_43], %broadcast_in_dim3A_42 {strides = array<i32>} : memref<2064xf32, #tpu.memory_space<vmem>>, vector<16xf32>,
    %broadcast_in_dim3A_45 = arith.constant 0.000000e+00 : f32
    %broadcast_in_dim3A_46 = vector.broadcast %broadcast_in_dim3A_45 : f32 to vector<16xf32>
    %swap3A_47 = arith.constant 144 : index
    %swap3A_48 = tpu.vector_load %arg7[%swap3A_47] {strides = array<i32>} : memref<2064xf32, #tpu.memory_space<vmem>>, vector<16xf32>,
    tpu.vector_store %arg7[%swap3A_47], %broadcast_in_dim3A_46 {strides = array<i32>} : memref<2064xf32, #tpu.memory_space<vmem>>, vector<16xf32>,
    %broadcast_in_dim3A_49 = arith.constant 0.000000e+00 : f32
    %broadcast_in_dim3A_50 = vector.broadcast %broadcast_in_dim3A_49 : f32 to vector<16xf32>
    %swap3A_51 = arith.constant 160 : index
    %swap3A_52 = tpu.vector_load %arg7[%swap3A_51] {strides = array<i32>} : memref<2064xf32, #tpu.memory_space<vmem>>, vector<16xf32>,
    tpu.vector_store %arg7[%swap3A_51], %broadcast_in_dim3A_50 {strides = array<i32>} : memref<2064xf32, #tpu.memory_space<vmem>>, vector<16xf32>,
    %broadcast_in_dim3A_53 = arith.constant 0.000000e+00 : f32
    %broadcast_in_dim3A_54 = vector.broadcast %broadcast_in_dim3A_53 : f32 to vector<16xf32>
    %swap3A_55 = arith.constant 176 : index
    %swap3A_56 = tpu.vector_load %arg7[%swap3A_55] {strides = array<i32>} : memref<2064xf32, #tpu.memory_space<vmem>>, vector<16xf32>,
    tpu.vector_store %arg7[%swap3A_55], %broadcast_in_dim3A_54 {strides = array<i32>} : memref<2064xf32, #tpu.memory_space<vmem>>, vector<16xf32>,
    %broadcast_in_dim3A_57 = arith.constant 0.000000e+00 : f32
    %broadcast_in_dim3A_58 = vector.broadcast %broadcast_in_dim3A_57 : f32 to vector<16xf32>
    %swap3A_59 = arith.constant 192 : index
    %swap3A_60 = tpu.vector_load %arg7[%swap3A_59] {strides = array<i32>} : memref<2064xf32, #tpu.memory_space<vmem>>, vector<16xf32>,
    tpu.vector_store %arg7[%swap3A_59], %broadcast_in_dim3A_58 {strides = array<i32>} : memref<2064xf32, #tpu.memory_space<vmem>>, vector<16xf32>,
    %broadcast_in_dim3A_61 = arith.constant 0.000000e+00 : f32
    %broadcast_in_dim3A_62 = vector.broadcast %broadcast_in_dim3A_61 : f32 to vector<16xf32>
    %swap3A_63 = arith.constant 208 : index
    %swap3A_64 = tpu.vector_load %arg7[%swap3A_63] {strides = array<i32>} : memref<2064xf32, #tpu.memory_space<vmem>>, vector<16xf32>,
    tpu.vector_store %arg7[%swap3A_63], %broadcast_in_dim3A_62 {strides = array<i32>} : memref<2064xf32, #tpu.memory_space<vmem>>, vector<16xf32>,
    %broadcast_in_dim3A_65 = arith.constant 0.000000e+00 : f32
    %broadcast_in_dim3A_66 = vector.broadcast %broadcast_in_dim3A_65 : f32 to vector<16xf32>
    %swap3A_67 = arith.constant 224 : index
    %swap3A_68 = tpu.vector_load %arg7[%swap3A_67] {strides = array<i32>} : memref<2064xf32, #tpu.memory_space<vmem>>, vector<16xf32>,
    tpu.vector_store %arg7[%swap3A_67], %broadcast_in_dim3A_66 {strides = array<i32>} : memref<2064xf32, #tpu.memory_space<vmem>>, vector<16xf32>,
    %broadcast_in_dim3A_69 = arith.constant 0.000000e+00 : f32
    %broadcast_in_dim3A_70 = vector.broadcast %broadcast_in_dim3A_69 : f32 to vector<16xf32>
    %swap3A_71 = arith.constant 240 : index
    %swap3A_72 = tpu.vector_load %arg7[%swap3A_71] {strides = array<i32>} : memref<2064xf32, #tpu.memory_space<vmem>>, vector<16xf32>,
    tpu.vector_store %arg7[%swap3A_71], %broadcast_in_dim3A_70 {strides = array<i32>} : memref<2064xf32, #tpu.memory_space<vmem>>, vector<16xf32>,
    %broadcast_in_dim3A_73 = arith.constant 0.000000e+00 : f32
    %broadcast_in_dim3A_74 = vector.broadcast %broadcast_in_dim3A_73 : f32 to vector<16xf32>
    %swap3A_75 = arith.constant 256 : index
    %swap3A_76 = tpu.vector_load %arg7[%swap3A_75] {strides = array<i32>} : memref<2064xf32, #tpu.memory_space<vmem>>, vector<16xf32>,
    tpu.vector_store %arg7[%swap3A_75], %broadcast_in_dim3A_74 {strides = array<i32>} : memref<2064xf32, #tpu.memory_space<vmem>>, vector<16xf32>,
    %broadcast_in_dim3A_77 = arith.constant 0.000000e+00 : f32
    %broadcast_in_dim3A_78 = vector.broadcast %broadcast_in_dim3A_77 : f32 to vector<16xf32>
    %swap3A_79 = arith.constant 272 : index
    %swap3A_80 = tpu.vector_load %arg7[%swap3A_79] {strides = array<i32>} : memref<2064xf32, #tpu.memory_space<vmem>>, vector<16xf32>,
    tpu.vector_store %arg7[%swap3A_79], %broadcast_in_dim3A_78 {strides = array<i32>} : memref<2064xf32, #tpu.memory_space<vmem>>, vector<16xf32>,
    %broadcast_in_dim3A_81 = arith.constant 0.000000e+00 : f32
    %broadcast_in_dim3A_82 = vector.broadcast %broadcast_in_dim3A_81 : f32 to vector<16xf32>
    %swap3A_83 = arith.constant 288 : index
    %swap3A_84 = tpu.vector_load %arg7[%swap3A_83] {strides = array<i32>} : memref<2064xf32, #tpu.memory_space<vmem>>, vector<16xf32>,
    tpu.vector_store %arg7[%swap3A_83], %broadcast_in_dim3A_82 {strides = array<i32>} : memref<2064xf32, #tpu.memory_space<vmem>>, vector<16xf32>,
    %broadcast_in_dim3A_85 = arith.constant 0.000000e+00 : f32
    %broadcast_in_dim3A_86 = vector.broadcast %broadcast_in_dim3A_85 : f32 to vector<16xf32>
    %swap3A_87 = arith.constant 304 : index
    %swap3A_88 = tpu.vector_load %arg7[%swap3A_87] {strides = array<i32>} : memref<2064xf32, #tpu.memory_space<vmem>>, vector<16xf32>,
    tpu.vector_store %arg7[%swap3A_87], %broadcast_in_dim3A_86 {strides = array<i32>} : memref<2064xf32, #tpu.memory_space<vmem>>, vector<16xf32>,
    %broadcast_in_dim3A_89 = arith.constant 0.000000e+00 : f32
    %broadcast_in_dim3A_90 = vector.broadcast %broadcast_in_dim3A_89 : f32 to vector<16xf32>
    %swap3A_91 = arith.constant 320 : index
    %swap3A_92 = tpu.vector_load %arg7[%swap3A_91] {strides = array<i32>} : memref<2064xf32, #tpu.memory_space<vmem>>, vector<16xf32>,
    tpu.vector_store %arg7[%swap3A_91], %broadcast_in_dim3A_90 {strides = array<i32>} : memref<2064xf32, #tpu.memory_space<vmem>>, vector<16xf32>,
    %broadcast_in_dim3A_93 = arith.constant 0.000000e+00 : f32
    %broadcast_in_dim3A_94 = vector.broadcast %broadcast_in_dim3A_93 : f32 to vector<16xf32>
    %swap3A_95 = arith.constant 336 : index
    %swap3A_96 = tpu.vector_load %arg7[%swap3A_95] {strides = array<i32>} : memref<2064xf32, #tpu.memory_space<vmem>>, vector<16xf32>,
    tpu.vector_store %arg7[%swap3A_95], %broadcast_in_dim3A_94 {strides = array<i32>} : memref<2064xf32, #tpu.memory_space<vmem>>, vector<16xf32>,
    %broadcast_in_dim3A_97 = arith.constant 0.000000e+00 : f32
    %broadcast_in_dim3A_98 = vector.broadcast %broadcast_in_dim3A_97 : f32 to vector<16xf32>
    %swap3A_99 = arith.constant 352 : index
    %swap3A_100 = tpu.vector_load %arg7[%swap3A_99] {strides = array<i32>} : memref<2064xf32, #tpu.memory_space<vmem>>, vector<16xf32>,
    tpu.vector_store %arg7[%swap3A_99], %broadcast_in_dim3A_98 {strides = array<i32>} : memref<2064xf32, #tpu.memory_space<vmem>>, vector<16xf32>,
    %broadcast_in_dim3A_101 = arith.constant 0.000000e+00 : f32
    %broadcast_in_dim3A_102 = vector.broadcast %broadcast_in_dim3A_101 : f32 to vector<16xf32>
    %swap3A_103 = arith.constant 368 : index
    %swap3A_104 = tpu.vector_load %arg7[%swap3A_103] {strides = array<i32>} : memref<2064xf32, #tpu.memory_space<vmem>>, vector<16xf32>,
    tpu.vector_store %arg7[%swap3A_103], %broadcast_in_dim3A_102 {strides = array<i32>} : memref<2064xf32, #tpu.memory_space<vmem>>, vector<16xf32>,
    %broadcast_in_dim3A_105 = arith.constant 0.000000e+00 : f32
    %broadcast_in_dim3A_106 = vector.broadcast %broadcast_in_dim3A_105 : f32 to vector<16xf32>
    %swap3A_107 = arith.constant 384 : index
    %swap3A_108 = tpu.vector_load %arg7[%swap3A_107] {strides = array<i32>} : memref<2064xf32, #tpu.memory_space<vmem>>, vector<16xf32>,
    tpu.vector_store %arg7[%swap3A_107], %broadcast_in_dim3A_106 {strides = array<i32>} : memref<2064xf32, #tpu.memory_space<vmem>>, vector<16xf32>,
    %broadcast_in_dim3A_109 = arith.constant 0.000000e+00 : f32
    %broadcast_in_dim3A_110 = vector.broadcast %broadcast_in_dim3A_109 : f32 to vector<16xf32>
    %swap3A_111 = arith.constant 400 : index
    %swap3A_112 = tpu.vector_load %arg7[%swap3A_111] {strides = array<i32>} : memref<2064xf32, #tpu.memory_space<vmem>>, vector<16xf32>,
    tpu.vector_store %arg7[%swap3A_111], %broadcast_in_dim3A_110 {strides = array<i32>} : memref<2064xf32, #tpu.memory_space<vmem>>, vector<16xf32>,
    %broadcast_in_dim3A_113 = arith.constant 0.000000e+00 : f32
    %broadcast_in_dim3A_114 = vector.broadcast %broadcast_in_dim3A_113 : f32 to vector<16xf32>
    %swap3A_115 = arith.constant 416 : index
    %swap3A_116 = tpu.vector_load %arg7[%swap3A_115] {strides = array<i32>} : memref<2064xf32, #tpu.memory_space<vmem>>, vector<16xf32>,
    tpu.vector_store %arg7[%swap3A_115], %broadcast_in_dim3A_114 {strides = array<i32>} : memref<2064xf32, #tpu.memory_space<vmem>>, vector<16xf32>,
    %broadcast_in_dim3A_117 = arith.constant 0.000000e+00 : f32
    %broadcast_in_dim3A_118 = vector.broadcast %broadcast_in_dim3A_117 : f32 to vector<16xf32>
    %swap3A_119 = arith.constant 432 : index
    %swap3A_120 = tpu.vector_load %arg7[%swap3A_119] {strides = array<i32>} : memref<2064xf32, #tpu.memory_space<vmem>>, vector<16xf32>,
    tpu.vector_store %arg7[%swap3A_119], %broadcast_in_dim3A_118 {strides = array<i32>} : memref<2064xf32, #tpu.memory_space<vmem>>, vector<16xf32>,
    %broadcast_in_dim3A_121 = arith.constant 0.000000e+00 : f32
    %broadcast_in_dim3A_122 = vector.broadcast %broadcast_in_dim3A_121 : f32 to vector<16xf32>
    %swap3A_123 = arith.constant 448 : index
    %swap3A_124 = tpu.vector_load %arg7[%swap3A_123] {strides = array<i32>} : memref<2064xf32, #tpu.memory_space<vmem>>, vector<16xf32>,
    tpu.vector_store %arg7[%swap3A_123], %broadcast_in_dim3A_122 {strides = array<i32>} : memref<2064xf32, #tpu.memory_space<vmem>>, vector<16xf32>,
    %broadcast_in_dim3A_125 = arith.constant 0.000000e+00 : f32
    %broadcast_in_dim3A_126 = vector.broadcast %broadcast_in_dim3A_125 : f32 to vector<16xf32>
    %swap3A_127 = arith.constant 464 : index
    %swap3A_128 = tpu.vector_load %arg7[%swap3A_127] {strides = array<i32>} : memref<2064xf32, #tpu.memory_space<vmem>>, vector<16xf32>,
    tpu.vector_store %arg7[%swap3A_127], %broadcast_in_dim3A_126 {strides = array<i32>} : memref<2064xf32, #tpu.memory_space<vmem>>, vector<16xf32>,
    %broadcast_in_dim3A_129 = arith.constant 0.000000e+00 : f32
    %broadcast_in_dim3A_130 = vector.broadcast %broadcast_in_dim3A_129 : f32 to vector<16xf32>
    %swap3A_131 = arith.constant 480 : index
    %swap3A_132 = tpu.vector_load %arg7[%swap3A_131] {strides = array<i32>} : memref<2064xf32, #tpu.memory_space<vmem>>, vector<16xf32>,
    tpu.vector_store %arg7[%swap3A_131], %broadcast_in_dim3A_130 {strides = array<i32>} : memref<2064xf32, #tpu.memory_space<vmem>>, vector<16xf32>,
    %broadcast_in_dim3A_133 = arith.constant 0.000000e+00 : f32
    %broadcast_in_dim3A_134 = vector.broadcast %broadcast_in_dim3A_133 : f32 to vector<16xf32>
    %swap3A_135 = arith.constant 496 : index
    %swap3A_136 = tpu.vector_load %arg7[%swap3A_135] {strides = array<i32>} : memref<2064xf32, #tpu.memory_space<vmem>>, vector<16xf32>,
    tpu.vector_store %arg7[%swap3A_135], %broadcast_in_dim3A_134 {strides = array<i32>} : memref<2064xf32, #tpu.memory_space<vmem>>, vector<16xf32>,
    %broadcast_in_dim3A_137 = arith.constant 0.000000e+00 : f32
    %broadcast_in_dim3A_138 = vector.broadcast %broadcast_in_dim3A_137 : f32 to vector<16xf32>
    %swap3A_139 = arith.constant 512 : index
    %swap3A_140 = tpu.vector_load %arg7[%swap3A_139] {strides = array<i32>} : memref<2064xf32, #tpu.memory_space<vmem>>, vector<16xf32>,
    tpu.vector_store %arg7[%swap3A_139], %broadcast_in_dim3A_138 {strides = array<i32>} : memref<2064xf32, #tpu.memory_space<vmem>>, vector<16xf32>,
    %broadcast_in_dim3A_141 = arith.constant 0.000000e+00 : f32
    %broadcast_in_dim3A_142 = vector.broadcast %broadcast_in_dim3A_141 : f32 to vector<16xf32>
    %swap3A_143 = arith.constant 528 : index
    %swap3A_144 = tpu.vector_load %arg7[%swap3A_143] {strides = array<i32>} : memref<2064xf32, #tpu.memory_space<vmem>>, vector<16xf32>,
    tpu.vector_store %arg7[%swap3A_143], %broadcast_in_dim3A_142 {strides = array<i32>} : memref<2064xf32, #tpu.memory_space<vmem>>, vector<16xf32>,
    %broadcast_in_dim3A_145 = arith.constant 0.000000e+00 : f32
    %broadcast_in_dim3A_146 = vector.broadcast %broadcast_in_dim3A_145 : f32 to vector<16xf32>
    %swap3A_147 = arith.constant 544 : index
    %swap3A_148 = tpu.vector_load %arg7[%swap3A_147] {strides = array<i32>} : memref<2064xf32, #tpu.memory_space<vmem>>, vector<16xf32>,
    tpu.vector_store %arg7[%swap3A_147], %broadcast_in_dim3A_146 {strides = array<i32>} : memref<2064xf32, #tpu.memory_space<vmem>>, vector<16xf32>,
    %broadcast_in_dim3A_149 = arith.constant 0.000000e+00 : f32
    %broadcast_in_dim3A_150 = vector.broadcast %broadcast_in_dim3A_149 : f32 to vector<16xf32>
    %swap3A_151 = arith.constant 560 : index
    %swap3A_152 = tpu.vector_load %arg7[%swap3A_151] {strides = array<i32>} : memref<2064xf32, #tpu.memory_space<vmem>>, vector<16xf32>,
    tpu.vector_store %arg7[%swap3A_151], %broadcast_in_dim3A_150 {strides = array<i32>} : memref<2064xf32, #tpu.memory_space<vmem>>, vector<16xf32>,
    %broadcast_in_dim3A_153 = arith.constant 0.000000e+00 : f32
    %broadcast_in_dim3A_154 = vector.broadcast %broadcast_in_dim3A_153 : f32 to vector<16xf32>
    %swap3A_155 = arith.constant 576 : index
    %swap3A_156 = tpu.vector_load %arg7[%swap3A_155] {strides = array<i32>} : memref<2064xf32, #tpu.memory_space<vmem>>, vector<16xf32>,
    tpu.vector_store %arg7[%swap3A_155], %broadcast_in_dim3A_154 {strides = array<i32>} : memref<2064xf32, #tpu.memory_space<vmem>>, vector<16xf32>,
    %broadcast_in_dim3A_157 = arith.constant 0.000000e+00 : f32
    %broadcast_in_dim3A_158 = vector.broadcast %broadcast_in_dim3A_157 : f32 to vector<16xf32>
    %swap3A_159 = arith.constant 592 : index
    %swap3A_160 = tpu.vector_load %arg7[%swap3A_159] {strides = array<i32>} : memref<2064xf32, #tpu.memory_space<vmem>>, vector<16xf32>,
    tpu.vector_store %arg7[%swap3A_159], %broadcast_in_dim3A_158 {strides = array<i32>} : memref<2064xf32, #tpu.memory_space<vmem>>, vector<16xf32>,
    %broadcast_in_dim3A_161 = arith.constant 0.000000e+00 : f32
    %broadcast_in_dim3A_162 = vector.broadcast %broadcast_in_dim3A_161 : f32 to vector<16xf32>
    %swap3A_163 = arith.constant 608 : index
    %swap3A_164 = tpu.vector_load %arg7[%swap3A_163] {strides = array<i32>} : memref<2064xf32, #tpu.memory_space<vmem>>, vector<16xf32>,
    tpu.vector_store %arg7[%swap3A_163], %broadcast_in_dim3A_162 {strides = array<i32>} : memref<2064xf32, #tpu.memory_space<vmem>>, vector<16xf32>,
    %broadcast_in_dim3A_165 = arith.constant 0.000000e+00 : f32
    %broadcast_in_dim3A_166 = vector.broadcast %broadcast_in_dim3A_165 : f32 to vector<16xf32>
    %swap3A_167 = arith.constant 624 : index
    %swap3A_168 = tpu.vector_load %arg7[%swap3A_167] {strides = array<i32>} : memref<2064xf32, #tpu.memory_space<vmem>>, vector<16xf32>,
    tpu.vector_store %arg7[%swap3A_167], %broadcast_in_dim3A_166 {strides = array<i32>} : memref<2064xf32, #tpu.memory_space<vmem>>, vector<16xf32>,
    %broadcast_in_dim3A_169 = arith.constant 0.000000e+00 : f32
    %broadcast_in_dim3A_170 = vector.broadcast %broadcast_in_dim3A_169 : f32 to vector<16xf32>
    %swap3A_171 = arith.constant 640 : index
    %swap3A_172 = tpu.vector_load %arg7[%swap3A_171] {strides = array<i32>} : memref<2064xf32, #tpu.memory_space<vmem>>, vector<16xf32>,
    tpu.vector_store %arg7[%swap3A_171], %broadcast_in_dim3A_170 {strides = array<i32>} : memref<2064xf32, #tpu.memory_space<vmem>>, vector<16xf32>,
    %broadcast_in_dim3A_173 = arith.constant 0.000000e+00 : f32
    %broadcast_in_dim3A_174 = vector.broadcast %broadcast_in_dim3A_173 : f32 to vector<16xf32>
    %swap3A_175 = arith.constant 656 : index
    %swap3A_176 = tpu.vector_load %arg7[%swap3A_175] {strides = array<i32>} : memref<2064xf32, #tpu.memory_space<vmem>>, vector<16xf32>,
    tpu.vector_store %arg7[%swap3A_175], %broadcast_in_dim3A_174 {strides = array<i32>} : memref<2064xf32, #tpu.memory_space<vmem>>, vector<16xf32>,
    %broadcast_in_dim3A_177 = arith.constant 0.000000e+00 : f32
    %broadcast_in_dim3A_178 = vector.broadcast %broadcast_in_dim3A_177 : f32 to vector<16xf32>
    %swap3A_179 = arith.constant 672 : index
    %swap3A_180 = tpu.vector_load %arg7[%swap3A_179] {strides = array<i32>} : memref<2064xf32, #tpu.memory_space<vmem>>, vector<16xf32>,
    tpu.vector_store %arg7[%swap3A_179], %broadcast_in_dim3A_178 {strides = array<i32>} : memref<2064xf32, #tpu.memory_space<vmem>>, vector<16xf32>,
    %broadcast_in_dim3A_181 = arith.constant 0.000000e+00 : f32
    %broadcast_in_dim3A_182 = vector.broadcast %broadcast_in_dim3A_181 : f32 to vector<16xf32>
    %swap3A_183 = arith.constant 688 : index
    %swap3A_184 = tpu.vector_load %arg7[%swap3A_183] {strides = array<i32>} : memref<2064xf32, #tpu.memory_space<vmem>>, vector<16xf32>,
    tpu.vector_store %arg7[%swap3A_183], %broadcast_in_dim3A_182 {strides = array<i32>} : memref<2064xf32, #tpu.memory_space<vmem>>, vector<16xf32>,
    %broadcast_in_dim3A_185 = arith.constant 0.000000e+00 : f32
    %broadcast_in_dim3A_186 = vector.broadcast %broadcast_in_dim3A_185 : f32 to vector<16xf32>
    %swap3A_187 = arith.constant 704 : index
    %swap3A_188 = tpu.vector_load %arg7[%swap3A_187] {strides = array<i32>} : memref<2064xf32, #tpu.memory_space<vmem>>, vector<16xf32>,
    tpu.vector_store %arg7[%swap3A_187], %broadcast_in_dim3A_186 {strides = array<i32>} : memref<2064xf32, #tpu.memory_space<vmem>>, vector<16xf32>,
    %broadcast_in_dim3A_189 = arith.constant 0.000000e+00 : f32
    %broadcast_in_dim3A_190 = vector.broadcast %broadcast_in_dim3A_189 : f32 to vector<16xf32>
    %swap3A_191 = arith.constant 720 : index
    %swap3A_192 = tpu.vector_load %arg7[%swap3A_191] {strides = array<i32>} : memref<2064xf32, #tpu.memory_space<vmem>>, vector<16xf32>,
    tpu.vector_store %arg7[%swap3A_191], %broadcast_in_dim3A_190 {strides = array<i32>} : memref<2064xf32, #tpu.memory_space<vmem>>, vector<16xf32>,
    %broadcast_in_dim3A_193 = arith.constant 0.000000e+00 : f32
    %broadcast_in_dim3A_194 = vector.broadcast %broadcast_in_dim3A_193 : f32 to vector<16xf32>
    %swap3A_195 = arith.constant 736 : index
    %swap3A_196 = tpu.vector_load %arg7[%swap3A_195] {strides = array<i32>} : memref<2064xf32, #tpu.memory_space<vmem>>, vector<16xf32>,
    tpu.vector_store %arg7[%swap3A_195], %broadcast_in_dim3A_194 {strides = array<i32>} : memref<2064xf32, #tpu.memory_space<vmem>>, vector<16xf32>,
    %broadcast_in_dim3A_197 = arith.constant 0.000000e+00 : f32
    %broadcast_in_dim3A_198 = vector.broadcast %broadcast_in_dim3A_197 : f32 to vector<16xf32>
    %swap3A_199 = arith.constant 752 : index
    %swap3A_200 = tpu.vector_load %arg7[%swap3A_199] {strides = array<i32>} : memref<2064xf32, #tpu.memory_space<vmem>>, vector<16xf32>,
    tpu.vector_store %arg7[%swap3A_199], %broadcast_in_dim3A_198 {strides = array<i32>} : memref<2064xf32, #tpu.memory_space<vmem>>, vector<16xf32>,
    %broadcast_in_dim3A_201 = arith.constant 0.000000e+00 : f32
    %broadcast_in_dim3A_202 = vector.broadcast %broadcast_in_dim3A_201 : f32 to vector<16xf32>
    %swap3A_203 = arith.constant 768 : index
    %swap3A_204 = tpu.vector_load %arg7[%swap3A_203] {strides = array<i32>} : memref<2064xf32, #tpu.memory_space<vmem>>, vector<16xf32>,
    tpu.vector_store %arg7[%swap3A_203], %broadcast_in_dim3A_202 {strides = array<i32>} : memref<2064xf32, #tpu.memory_space<vmem>>, vector<16xf32>,
    %broadcast_in_dim3A_205 = arith.constant 0.000000e+00 : f32
    %broadcast_in_dim3A_206 = vector.broadcast %broadcast_in_dim3A_205 : f32 to vector<16xf32>
    %swap3A_207 = arith.constant 784 : index
    %swap3A_208 = tpu.vector_load %arg7[%swap3A_207] {strides = array<i32>} : memref<2064xf32, #tpu.memory_space<vmem>>, vector<16xf32>,
    tpu.vector_store %arg7[%swap3A_207], %broadcast_in_dim3A_206 {strides = array<i32>} : memref<2064xf32, #tpu.memory_space<vmem>>, vector<16xf32>,
    %broadcast_in_dim3A_209 = arith.constant 0.000000e+00 : f32
    %broadcast_in_dim3A_210 = vector.broadcast %broadcast_in_dim3A_209 : f32 to vector<16xf32>
    %swap3A_211 = arith.constant 800 : index
    %swap3A_212 = tpu.vector_load %arg7[%swap3A_211] {strides = array<i32>} : memref<2064xf32, #tpu.memory_space<vmem>>, vector<16xf32>,
    tpu.vector_store %arg7[%swap3A_211], %broadcast_in_dim3A_210 {strides = array<i32>} : memref<2064xf32, #tpu.memory_space<vmem>>, vector<16xf32>,
    %broadcast_in_dim3A_213 = arith.constant 0.000000e+00 : f32
    %broadcast_in_dim3A_214 = vector.broadcast %broadcast_in_dim3A_213 : f32 to vector<16xf32>
    %swap3A_215 = arith.constant 816 : index
    %swap3A_216 = tpu.vector_load %arg7[%swap3A_215] {strides = array<i32>} : memref<2064xf32, #tpu.memory_space<vmem>>, vector<16xf32>,
    tpu.vector_store %arg7[%swap3A_215], %broadcast_in_dim3A_214 {strides = array<i32>} : memref<2064xf32, #tpu.memory_space<vmem>>, vector<16xf32>,
    %broadcast_in_dim3A_217 = arith.constant 0.000000e+00 : f32
    %broadcast_in_dim3A_218 = vector.broadcast %broadcast_in_dim3A_217 : f32 to vector<16xf32>
    %swap3A_219 = arith.constant 832 : index
    %swap3A_220 = tpu.vector_load %arg7[%swap3A_219] {strides = array<i32>} : memref<2064xf32, #tpu.memory_space<vmem>>, vector<16xf32>,
    tpu.vector_store %arg7[%swap3A_219], %broadcast_in_dim3A_218 {strides = array<i32>} : memref<2064xf32, #tpu.memory_space<vmem>>, vector<16xf32>,
    %broadcast_in_dim3A_221 = arith.constant 0.000000e+00 : f32
    %broadcast_in_dim3A_222 = vector.broadcast %broadcast_in_dim3A_221 : f32 to vector<16xf32>
    %swap3A_223 = arith.constant 848 : index
    %swap3A_224 = tpu.vector_load %arg7[%swap3A_223] {strides = array<i32>} : memref<2064xf32, #tpu.memory_space<vmem>>, vector<16xf32>,
    tpu.vector_store %arg7[%swap3A_223], %broadcast_in_dim3A_222 {strides = array<i32>} : memref<2064xf32, #tpu.memory_space<vmem>>, vector<16xf32>,
    %broadcast_in_dim3A_225 = arith.constant 0.000000e+00 : f32
    %broadcast_in_dim3A_226 = vector.broadcast %broadcast_in_dim3A_225 : f32 to vector<16xf32>
    %swap3A_227 = arith.constant 864 : index
    %swap3A_228 = tpu.vector_load %arg7[%swap3A_227] {strides = array<i32>} : memref<2064xf32, #tpu.memory_space<vmem>>, vector<16xf32>,
    tpu.vector_store %arg7[%swap3A_227], %broadcast_in_dim3A_226 {strides = array<i32>} : memref<2064xf32, #tpu.memory_space<vmem>>, vector<16xf32>,
    %broadcast_in_dim3A_229 = arith.constant 0.000000e+00 : f32
    %broadcast_in_dim3A_230 = vector.broadcast %broadcast_in_dim3A_229 : f32 to vector<16xf32>
    %swap3A_231 = arith.constant 880 : index
    %swap3A_232 = tpu.vector_load %arg7[%swap3A_231] {strides = array<i32>} : memref<2064xf32, #tpu.memory_space<vmem>>, vector<16xf32>,
    tpu.vector_store %arg7[%swap3A_231], %broadcast_in_dim3A_230 {strides = array<i32>} : memref<2064xf32, #tpu.memory_space<vmem>>, vector<16xf32>,
    %broadcast_in_dim3A_233 = arith.constant 0.000000e+00 : f32
    %broadcast_in_dim3A_234 = vector.broadcast %broadcast_in_dim3A_233 : f32 to vector<16xf32>
    %swap3A_235 = arith.constant 896 : index
    %swap3A_236 = tpu.vector_load %arg7[%swap3A_235] {strides = array<i32>} : memref<2064xf32, #tpu.memory_space<vmem>>, vector<16xf32>,
    tpu.vector_store %arg7[%swap3A_235], %broadcast_in_dim3A_234 {strides = array<i32>} : memref<2064xf32, #tpu.memory_space<vmem>>, vector<16xf32>,
    %broadcast_in_dim3A_237 = arith.constant 0.000000e+00 : f32
    %broadcast_in_dim3A_238 = vector.broadcast %broadcast_in_dim3A_237 : f32 to vector<16xf32>
    %swap3A_239 = arith.constant 912 : index
    %swap3A_240 = tpu.vector_load %arg7[%swap3A_239] {strides = array<i32>} : memref<2064xf32, #tpu.memory_space<vmem>>, vector<16xf32>,
    tpu.vector_store %arg7[%swap3A_239], %broadcast_in_dim3A_238 {strides = array<i32>} : memref<2064xf32, #tpu.memory_space<vmem>>, vector<16xf32>,
    %broadcast_in_dim3A_241 = arith.constant 0.000000e+00 : f32
    %broadcast_in_dim3A_242 = vector.broadcast %broadcast_in_dim3A_241 : f32 to vector<16xf32>
    %swap3A_243 = arith.constant 928 : index
    %swap3A_244 = tpu.vector_load %arg7[%swap3A_243] {strides = array<i32>} : memref<2064xf32, #tpu.memory_space<vmem>>, vector<16xf32>,
    tpu.vector_store %arg7[%swap3A_243], %broadcast_in_dim3A_242 {strides = array<i32>} : memref<2064xf32, #tpu.memory_space<vmem>>, vector<16xf32>,
    %broadcast_in_dim3A_245 = arith.constant 0.000000e+00 : f32
    %broadcast_in_dim3A_246 = vector.broadcast %broadcast_in_dim3A_245 : f32 to vector<16xf32>
    %swap3A_247 = arith.constant 944 : index
    %swap3A_248 = tpu.vector_load %arg7[%swap3A_247] {strides = array<i32>} : memref<2064xf32, #tpu.memory_space<vmem>>, vector<16xf32>,
    tpu.vector_store %arg7[%swap3A_247], %broadcast_in_dim3A_246 {strides = array<i32>} : memref<2064xf32, #tpu.memory_space<vmem>>, vector<16xf32>,
    %broadcast_in_dim3A_249 = arith.constant 0.000000e+00 : f32
    %broadcast_in_dim3A_250 = vector.broadcast %broadcast_in_dim3A_249 : f32 to vector<16xf32>
    %swap3A_251 = arith.constant 960 : index
    %swap3A_252 = tpu.vector_load %arg7[%swap3A_251] {strides = array<i32>} : memref<2064xf32, #tpu.memory_space<vmem>>, vector<16xf32>,
    tpu.vector_store %arg7[%swap3A_251], %broadcast_in_dim3A_250 {strides = array<i32>} : memref<2064xf32, #tpu.memory_space<vmem>>, vector<16xf32>,
    %broadcast_in_dim3A_253 = arith.constant 0.000000e+00 : f32
    %broadcast_in_dim3A_254 = vector.broadcast %broadcast_in_dim3A_253 : f32 to vector<16xf32>
    %swap3A_255 = arith.constant 976 : index
    %swap3A_256 = tpu.vector_load %arg7[%swap3A_255] {strides = array<i32>} : memref<2064xf32, #tpu.memory_space<vmem>>, vector<16xf32>,
    tpu.vector_store %arg7[%swap3A_255], %broadcast_in_dim3A_254 {strides = array<i32>} : memref<2064xf32, #tpu.memory_space<vmem>>, vector<16xf32>,
    %broadcast_in_dim3A_257 = arith.constant 0.000000e+00 : f32
    %broadcast_in_dim3A_258 = vector.broadcast %broadcast_in_dim3A_257 : f32 to vector<16xf32>
    %swap3A_259 = arith.constant 992 : index
    %swap3A_260 = tpu.vector_load %arg7[%swap3A_259] {strides = array<i32>} : memref<2064xf32, #tpu.memory_space<vmem>>, vector<16xf32>,
    tpu.vector_store %arg7[%swap3A_259], %broadcast_in_dim3A_258 {strides = array<i32>} : memref<2064xf32, #tpu.memory_space<vmem>>, vector<16xf32>,
    %broadcast_in_dim3A_261 = arith.constant 0.000000e+00 : f32
    %broadcast_in_dim3A_262 = vector.broadcast %broadcast_in_dim3A_261 : f32 to vector<16xf32>
    %swap3A_263 = arith.constant 1008 : index
    %swap3A_264 = tpu.vector_load %arg7[%swap3A_263] {strides = array<i32>} : memref<2064xf32, #tpu.memory_space<vmem>>, vector<16xf32>,
    tpu.vector_store %arg7[%swap3A_263], %broadcast_in_dim3A_262 {strides = array<i32>} : memref<2064xf32, #tpu.memory_space<vmem>>, vector<16xf32>,
    %broadcast_in_dim3A_265 = arith.constant 0.000000e+00 : f32
    %broadcast_in_dim3A_266 = vector.broadcast %broadcast_in_dim3A_265 : f32 to vector<16xf32>
    %swap3A_267 = arith.constant 1024 : index
    %swap3A_268 = tpu.vector_load %arg7[%swap3A_267] {strides = array<i32>} : memref<2064xf32, #tpu.memory_space<vmem>>, vector<16xf32>,
    tpu.vector_store %arg7[%swap3A_267], %broadcast_in_dim3A_266 {strides = array<i32>} : memref<2064xf32, #tpu.memory_space<vmem>>, vector<16xf32>,
    %broadcast_in_dim3A_269 = arith.constant 0.000000e+00 : f32
    %broadcast_in_dim3A_270 = vector.broadcast %broadcast_in_dim3A_269 : f32 to vector<16xf32>
    %swap3A_271 = arith.constant 1040 : index
    %swap3A_272 = tpu.vector_load %arg7[%swap3A_271] {strides = array<i32>} : memref<2064xf32, #tpu.memory_space<vmem>>, vector<16xf32>,
    tpu.vector_store %arg7[%swap3A_271], %broadcast_in_dim3A_270 {strides = array<i32>} : memref<2064xf32, #tpu.memory_space<vmem>>, vector<16xf32>,
    %broadcast_in_dim3A_273 = arith.constant 0.000000e+00 : f32
    %broadcast_in_dim3A_274 = vector.broadcast %broadcast_in_dim3A_273 : f32 to vector<16xf32>
    %swap3A_275 = arith.constant 1056 : index
    %swap3A_276 = tpu.vector_load %arg7[%swap3A_275] {strides = array<i32>} : memref<2064xf32, #tpu.memory_space<vmem>>, vector<16xf32>,
    tpu.vector_store %arg7[%swap3A_275], %broadcast_in_dim3A_274 {strides = array<i32>} : memref<2064xf32, #tpu.memory_space<vmem>>, vector<16xf32>,
    %broadcast_in_dim3A_277 = arith.constant 0.000000e+00 : f32
    %broadcast_in_dim3A_278 = vector.broadcast %broadcast_in_dim3A_277 : f32 to vector<16xf32>
    %swap3A_279 = arith.constant 1072 : index
    %swap3A_280 = tpu.vector_load %arg7[%swap3A_279] {strides = array<i32>} : memref<2064xf32, #tpu.memory_space<vmem>>, vector<16xf32>,
    tpu.vector_store %arg7[%swap3A_279], %broadcast_in_dim3A_278 {strides = array<i32>} : memref<2064xf32, #tpu.memory_space<vmem>>, vector<16xf32>,
    %broadcast_in_dim3A_281 = arith.constant 0.000000e+00 : f32
    %broadcast_in_dim3A_282 = vector.broadcast %broadcast_in_dim3A_281 : f32 to vector<16xf32>
    %swap3A_283 = arith.constant 1088 : index
    %swap3A_284 = tpu.vector_load %arg7[%swap3A_283] {strides = array<i32>} : memref<2064xf32, #tpu.memory_space<vmem>>, vector<16xf32>,
    tpu.vector_store %arg7[%swap3A_283], %broadcast_in_dim3A_282 {strides = array<i32>} : memref<2064xf32, #tpu.memory_space<vmem>>, vector<16xf32>,
    %broadcast_in_dim3A_285 = arith.constant 0.000000e+00 : f32
    %broadcast_in_dim3A_286 = vector.broadcast %broadcast_in_dim3A_285 : f32 to vector<16xf32>
    %swap3A_287 = arith.constant 1104 : index
    %swap3A_288 = tpu.vector_load %arg7[%swap3A_287] {strides = array<i32>} : memref<2064xf32, #tpu.memory_space<vmem>>, vector<16xf32>,
    tpu.vector_store %arg7[%swap3A_287], %broadcast_in_dim3A_286 {strides = array<i32>} : memref<2064xf32, #tpu.memory_space<vmem>>, vector<16xf32>,
    %broadcast_in_dim3A_289 = arith.constant 0.000000e+00 : f32
    %broadcast_in_dim3A_290 = vector.broadcast %broadcast_in_dim3A_289 : f32 to vector<16xf32>
    %swap3A_291 = arith.constant 1120 : index
    %swap3A_292 = tpu.vector_load %arg7[%swap3A_291] {strides = array<i32>} : memref<2064xf32, #tpu.memory_space<vmem>>, vector<16xf32>,
    tpu.vector_store %arg7[%swap3A_291], %broadcast_in_dim3A_290 {strides = array<i32>} : memref<2064xf32, #tpu.memory_space<vmem>>, vector<16xf32>,
    %broadcast_in_dim3A_293 = arith.constant 0.000000e+00 : f32
    %broadcast_in_dim3A_294 = vector.broadcast %broadcast_in_dim3A_293 : f32 to vector<16xf32>
    %swap3A_295 = arith.constant 1136 : index
    %swap3A_296 = tpu.vector_load %arg7[%swap3A_295] {strides = array<i32>} : memref<2064xf32, #tpu.memory_space<vmem>>, vector<16xf32>,
    tpu.vector_store %arg7[%swap3A_295], %broadcast_in_dim3A_294 {strides = array<i32>} : memref<2064xf32, #tpu.memory_space<vmem>>, vector<16xf32>,
    %broadcast_in_dim3A_297 = arith.constant 0.000000e+00 : f32
    %broadcast_in_dim3A_298 = vector.broadcast %broadcast_in_dim3A_297 : f32 to vector<16xf32>
    %swap3A_299 = arith.constant 1152 : index
    %swap3A_300 = tpu.vector_load %arg7[%swap3A_299] {strides = array<i32>} : memref<2064xf32, #tpu.memory_space<vmem>>, vector<16xf32>,
    tpu.vector_store %arg7[%swap3A_299], %broadcast_in_dim3A_298 {strides = array<i32>} : memref<2064xf32, #tpu.memory_space<vmem>>, vector<16xf32>,
    %broadcast_in_dim3A_301 = arith.constant 0.000000e+00 : f32
    %broadcast_in_dim3A_302 = vector.broadcast %broadcast_in_dim3A_301 : f32 to vector<16xf32>
    %swap3A_303 = arith.constant 1168 : index
    %swap3A_304 = tpu.vector_load %arg7[%swap3A_303] {strides = array<i32>} : memref<2064xf32, #tpu.memory_space<vmem>>, vector<16xf32>,
    tpu.vector_store %arg7[%swap3A_303], %broadcast_in_dim3A_302 {strides = array<i32>} : memref<2064xf32, #tpu.memory_space<vmem>>, vector<16xf32>,
    %broadcast_in_dim3A_305 = arith.constant 0.000000e+00 : f32
    %broadcast_in_dim3A_306 = vector.broadcast %broadcast_in_dim3A_305 : f32 to vector<16xf32>
    %swap3A_307 = arith.constant 1184 : index
    %swap3A_308 = tpu.vector_load %arg7[%swap3A_307] {strides = array<i32>} : memref<2064xf32, #tpu.memory_space<vmem>>, vector<16xf32>,
    tpu.vector_store %arg7[%swap3A_307], %broadcast_in_dim3A_306 {strides = array<i32>} : memref<2064xf32, #tpu.memory_space<vmem>>, vector<16xf32>,
    %broadcast_in_dim3A_309 = arith.constant 0.000000e+00 : f32
    %broadcast_in_dim3A_310 = vector.broadcast %broadcast_in_dim3A_309 : f32 to vector<16xf32>
    %swap3A_311 = arith.constant 1200 : index
    %swap3A_312 = tpu.vector_load %arg7[%swap3A_311] {strides = array<i32>} : memref<2064xf32, #tpu.memory_space<vmem>>, vector<16xf32>,
    tpu.vector_store %arg7[%swap3A_311], %broadcast_in_dim3A_310 {strides = array<i32>} : memref<2064xf32, #tpu.memory_space<vmem>>, vector<16xf32>,
    %broadcast_in_dim3A_313 = arith.constant 0.000000e+00 : f32
    %broadcast_in_dim3A_314 = vector.broadcast %broadcast_in_dim3A_313 : f32 to vector<16xf32>
    %swap3A_315 = arith.constant 1216 : index
    %swap3A_316 = tpu.vector_load %arg7[%swap3A_315] {strides = array<i32>} : memref<2064xf32, #tpu.memory_space<vmem>>, vector<16xf32>,
    tpu.vector_store %arg7[%swap3A_315], %broadcast_in_dim3A_314 {strides = array<i32>} : memref<2064xf32, #tpu.memory_space<vmem>>, vector<16xf32>,
    %broadcast_in_dim3A_317 = arith.constant 0.000000e+00 : f32
    %broadcast_in_dim3A_318 = vector.broadcast %broadcast_in_dim3A_317 : f32 to vector<16xf32>
    %swap3A_319 = arith.constant 1232 : index
    %swap3A_320 = tpu.vector_load %arg7[%swap3A_319] {strides = array<i32>} : memref<2064xf32, #tpu.memory_space<vmem>>, vector<16xf32>,
    tpu.vector_store %arg7[%swap3A_319], %broadcast_in_dim3A_318 {strides = array<i32>} : memref<2064xf32, #tpu.memory_space<vmem>>, vector<16xf32>,
    %broadcast_in_dim3A_321 = arith.constant 0.000000e+00 : f32
    %broadcast_in_dim3A_322 = vector.broadcast %broadcast_in_dim3A_321 : f32 to vector<16xf32>
    %swap3A_323 = arith.constant 1248 : index
    %swap3A_324 = tpu.vector_load %arg7[%swap3A_323] {strides = array<i32>} : memref<2064xf32, #tpu.memory_space<vmem>>, vector<16xf32>,
    tpu.vector_store %arg7[%swap3A_323], %broadcast_in_dim3A_322 {strides = array<i32>} : memref<2064xf32, #tpu.memory_space<vmem>>, vector<16xf32>,
    %broadcast_in_dim3A_325 = arith.constant 0.000000e+00 : f32
    %broadcast_in_dim3A_326 = vector.broadcast %broadcast_in_dim3A_325 : f32 to vector<16xf32>
    %swap3A_327 = arith.constant 1264 : index
    %swap3A_328 = tpu.vector_load %arg7[%swap3A_327] {strides = array<i32>} : memref<2064xf32, #tpu.memory_space<vmem>>, vector<16xf32>,
    tpu.vector_store %arg7[%swap3A_327], %broadcast_in_dim3A_326 {strides = array<i32>} : memref<2064xf32, #tpu.memory_space<vmem>>, vector<16xf32>,
    %broadcast_in_dim3A_329 = arith.constant 0.000000e+00 : f32
    %broadcast_in_dim3A_330 = vector.broadcast %broadcast_in_dim3A_329 : f32 to vector<16xf32>
    %swap3A_331 = arith.constant 1280 : index
    %swap3A_332 = tpu.vector_load %arg7[%swap3A_331] {strides = array<i32>} : memref<2064xf32, #tpu.memory_space<vmem>>, vector<16xf32>,
    tpu.vector_store %arg7[%swap3A_331], %broadcast_in_dim3A_330 {strides = array<i32>} : memref<2064xf32, #tpu.memory_space<vmem>>, vector<16xf32>,
    %broadcast_in_dim3A_333 = arith.constant 0.000000e+00 : f32
    %broadcast_in_dim3A_334 = vector.broadcast %broadcast_in_dim3A_333 : f32 to vector<16xf32>
    %swap3A_335 = arith.constant 1296 : index
    %swap3A_336 = tpu.vector_load %arg7[%swap3A_335] {strides = array<i32>} : memref<2064xf32, #tpu.memory_space<vmem>>, vector<16xf32>,
    tpu.vector_store %arg7[%swap3A_335], %broadcast_in_dim3A_334 {strides = array<i32>} : memref<2064xf32, #tpu.memory_space<vmem>>, vector<16xf32>,
    %broadcast_in_dim3A_337 = arith.constant 0.000000e+00 : f32
    %broadcast_in_dim3A_338 = vector.broadcast %broadcast_in_dim3A_337 : f32 to vector<16xf32>
    %swap3A_339 = arith.constant 1312 : index
    %swap3A_340 = tpu.vector_load %arg7[%swap3A_339] {strides = array<i32>} : memref<2064xf32, #tpu.memory_space<vmem>>, vector<16xf32>,
    tpu.vector_store %arg7[%swap3A_339], %broadcast_in_dim3A_338 {strides = array<i32>} : memref<2064xf32, #tpu.memory_space<vmem>>, vector<16xf32>,
    %broadcast_in_dim3A_341 = arith.constant 0.000000e+00 : f32
    %broadcast_in_dim3A_342 = vector.broadcast %broadcast_in_dim3A_341 : f32 to vector<16xf32>
    %swap3A_343 = arith.constant 1328 : index
    %swap3A_344 = tpu.vector_load %arg7[%swap3A_343] {strides = array<i32>} : memref<2064xf32, #tpu.memory_space<vmem>>, vector<16xf32>,
    tpu.vector_store %arg7[%swap3A_343], %broadcast_in_dim3A_342 {strides = array<i32>} : memref<2064xf32, #tpu.memory_space<vmem>>, vector<16xf32>,
    %broadcast_in_dim3A_345 = arith.constant 0.000000e+00 : f32
    %broadcast_in_dim3A_346 = vector.broadcast %broadcast_in_dim3A_345 : f32 to vector<16xf32>
    %swap3A_347 = arith.constant 1344 : index
    %swap3A_348 = tpu.vector_load %arg7[%swap3A_347] {strides = array<i32>} : memref<2064xf32, #tpu.memory_space<vmem>>, vector<16xf32>,
    tpu.vector_store %arg7[%swap3A_347], %broadcast_in_dim3A_346 {strides = array<i32>} : memref<2064xf32, #tpu.memory_space<vmem>>, vector<16xf32>,
    %broadcast_in_dim3A_349 = arith.constant 0.000000e+00 : f32
    %broadcast_in_dim3A_350 = vector.broadcast %broadcast_in_dim3A_349 : f32 to vector<16xf32>
    %swap3A_351 = arith.constant 1360 : index
    %swap3A_352 = tpu.vector_load %arg7[%swap3A_351] {strides = array<i32>} : memref<2064xf32, #tpu.memory_space<vmem>>, vector<16xf32>,
    tpu.vector_store %arg7[%swap3A_351], %broadcast_in_dim3A_350 {strides = array<i32>} : memref<2064xf32, #tpu.memory_space<vmem>>, vector<16xf32>,
    %broadcast_in_dim3A_353 = arith.constant 0.000000e+00 : f32
    %broadcast_in_dim3A_354 = vector.broadcast %broadcast_in_dim3A_353 : f32 to vector<16xf32>
    %swap3A_355 = arith.constant 1376 : index
    %swap3A_356 = tpu.vector_load %arg7[%swap3A_355] {strides = array<i32>} : memref<2064xf32, #tpu.memory_space<vmem>>, vector<16xf32>,
    tpu.vector_store %arg7[%swap3A_355], %broadcast_in_dim3A_354 {strides = array<i32>} : memref<2064xf32, #tpu.memory_space<vmem>>, vector<16xf32>,
    %broadcast_in_dim3A_357 = arith.constant 0.000000e+00 : f32
    %broadcast_in_dim3A_358 = vector.broadcast %broadcast_in_dim3A_357 : f32 to vector<16xf32>
    %swap3A_359 = arith.constant 1392 : index
    %swap3A_360 = tpu.vector_load %arg7[%swap3A_359] {strides = array<i32>} : memref<2064xf32, #tpu.memory_space<vmem>>, vector<16xf32>,
    tpu.vector_store %arg7[%swap3A_359], %broadcast_in_dim3A_358 {strides = array<i32>} : memref<2064xf32, #tpu.memory_space<vmem>>, vector<16xf32>,
    %broadcast_in_dim3A_361 = arith.constant 0.000000e+00 : f32
    %broadcast_in_dim3A_362 = vector.broadcast %broadcast_in_dim3A_361 : f32 to vector<16xf32>
    %swap3A_363 = arith.constant 1408 : index
    %swap3A_364 = tpu.vector_load %arg7[%swap3A_363] {strides = array<i32>} : memref<2064xf32, #tpu.memory_space<vmem>>, vector<16xf32>,
    tpu.vector_store %arg7[%swap3A_363], %broadcast_in_dim3A_362 {strides = array<i32>} : memref<2064xf32, #tpu.memory_space<vmem>>, vector<16xf32>,
    %broadcast_in_dim3A_365 = arith.constant 0.000000e+00 : f32
    %broadcast_in_dim3A_366 = vector.broadcast %broadcast_in_dim3A_365 : f32 to vector<16xf32>
    %swap3A_367 = arith.constant 1424 : index
    %swap3A_368 = tpu.vector_load %arg7[%swap3A_367] {strides = array<i32>} : memref<2064xf32, #tpu.memory_space<vmem>>, vector<16xf32>,
    tpu.vector_store %arg7[%swap3A_367], %broadcast_in_dim3A_366 {strides = array<i32>} : memref<2064xf32, #tpu.memory_space<vmem>>, vector<16xf32>,
    %broadcast_in_dim3A_369 = arith.constant 0.000000e+00 : f32
    %broadcast_in_dim3A_370 = vector.broadcast %broadcast_in_dim3A_369 : f32 to vector<16xf32>
    %swap3A_371 = arith.constant 1440 : index
    %swap3A_372 = tpu.vector_load %arg7[%swap3A_371] {strides = array<i32>} : memref<2064xf32, #tpu.memory_space<vmem>>, vector<16xf32>,
    tpu.vector_store %arg7[%swap3A_371], %broadcast_in_dim3A_370 {strides = array<i32>} : memref<2064xf32, #tpu.memory_space<vmem>>, vector<16xf32>,
    %broadcast_in_dim3A_373 = arith.constant 0.000000e+00 : f32
    %broadcast_in_dim3A_374 = vector.broadcast %broadcast_in_dim3A_373 : f32 to vector<16xf32>
    %swap3A_375 = arith.constant 1456 : index
    %swap3A_376 = tpu.vector_load %arg7[%swap3A_375] {strides = array<i32>} : memref<2064xf32, #tpu.memory_space<vmem>>, vector<16xf32>,
    tpu.vector_store %arg7[%swap3A_375], %broadcast_in_dim3A_374 {strides = array<i32>} : memref<2064xf32, #tpu.memory_space<vmem>>, vector<16xf32>,
    %broadcast_in_dim3A_377 = arith.constant 0.000000e+00 : f32
    %broadcast_in_dim3A_378 = vector.broadcast %broadcast_in_dim3A_377 : f32 to vector<16xf32>
    %swap3A_379 = arith.constant 1472 : index
    %swap3A_380 = tpu.vector_load %arg7[%swap3A_379] {strides = array<i32>} : memref<2064xf32, #tpu.memory_space<vmem>>, vector<16xf32>,
    tpu.vector_store %arg7[%swap3A_379], %broadcast_in_dim3A_378 {strides = array<i32>} : memref<2064xf32, #tpu.memory_space<vmem>>, vector<16xf32>,
    %broadcast_in_dim3A_381 = arith.constant 0.000000e+00 : f32
    %broadcast_in_dim3A_382 = vector.broadcast %broadcast_in_dim3A_381 : f32 to vector<16xf32>
    %swap3A_383 = arith.constant 1488 : index
    %swap3A_384 = tpu.vector_load %arg7[%swap3A_383] {strides = array<i32>} : memref<2064xf32, #tpu.memory_space<vmem>>, vector<16xf32>,
    tpu.vector_store %arg7[%swap3A_383], %broadcast_in_dim3A_382 {strides = array<i32>} : memref<2064xf32, #tpu.memory_space<vmem>>, vector<16xf32>,
    %broadcast_in_dim3A_385 = arith.constant 0.000000e+00 : f32
    %broadcast_in_dim3A_386 = vector.broadcast %broadcast_in_dim3A_385 : f32 to vector<16xf32>
    %swap3A_387 = arith.constant 1504 : index
    %swap3A_388 = tpu.vector_load %arg7[%swap3A_387] {strides = array<i32>} : memref<2064xf32, #tpu.memory_space<vmem>>, vector<16xf32>,
    tpu.vector_store %arg7[%swap3A_387], %broadcast_in_dim3A_386 {strides = array<i32>} : memref<2064xf32, #tpu.memory_space<vmem>>, vector<16xf32>,
    %broadcast_in_dim3A_389 = arith.constant 0.000000e+00 : f32
    %broadcast_in_dim3A_390 = vector.broadcast %broadcast_in_dim3A_389 : f32 to vector<16xf32>
    %swap3A_391 = arith.constant 1520 : index
    %swap3A_392 = tpu.vector_load %arg7[%swap3A_391] {strides = array<i32>} : memref<2064xf32, #tpu.memory_space<vmem>>, vector<16xf32>,
    tpu.vector_store %arg7[%swap3A_391], %broadcast_in_dim3A_390 {strides = array<i32>} : memref<2064xf32, #tpu.memory_space<vmem>>, vector<16xf32>,
    %broadcast_in_dim3A_393 = arith.constant 0.000000e+00 : f32
    %broadcast_in_dim3A_394 = vector.broadcast %broadcast_in_dim3A_393 : f32 to vector<16xf32>
    %swap3A_395 = arith.constant 1536 : index
    %swap3A_396 = tpu.vector_load %arg7[%swap3A_395] {strides = array<i32>} : memref<2064xf32, #tpu.memory_space<vmem>>, vector<16xf32>,
    tpu.vector_store %arg7[%swap3A_395], %broadcast_in_dim3A_394 {strides = array<i32>} : memref<2064xf32, #tpu.memory_space<vmem>>, vector<16xf32>,
    %broadcast_in_dim3A_397 = arith.constant 0.000000e+00 : f32
    %broadcast_in_dim3A_398 = vector.broadcast %broadcast_in_dim3A_397 : f32 to vector<16xf32>
    %swap3A_399 = arith.constant 1552 : index
    %swap3A_400 = tpu.vector_load %arg7[%swap3A_399] {strides = array<i32>} : memref<2064xf32, #tpu.memory_space<vmem>>, vector<16xf32>,
    tpu.vector_store %arg7[%swap3A_399], %broadcast_in_dim3A_398 {strides = array<i32>} : memref<2064xf32, #tpu.memory_space<vmem>>, vector<16xf32>,
    %broadcast_in_dim3A_401 = arith.constant 0.000000e+00 : f32
    %broadcast_in_dim3A_402 = vector.broadcast %broadcast_in_dim3A_401 : f32 to vector<16xf32>
    %swap3A_403 = arith.constant 1568 : index
    %swap3A_404 = tpu.vector_load %arg7[%swap3A_403] {strides = array<i32>} : memref<2064xf32, #tpu.memory_space<vmem>>, vector<16xf32>,
    tpu.vector_store %arg7[%swap3A_403], %broadcast_in_dim3A_402 {strides = array<i32>} : memref<2064xf32, #tpu.memory_space<vmem>>, vector<16xf32>,
    %broadcast_in_dim3A_405 = arith.constant 0.000000e+00 : f32
    %broadcast_in_dim3A_406 = vector.broadcast %broadcast_in_dim3A_405 : f32 to vector<16xf32>
    %swap3A_407 = arith.constant 1584 : index
    %swap3A_408 = tpu.vector_load %arg7[%swap3A_407] {strides = array<i32>} : memref<2064xf32, #tpu.memory_space<vmem>>, vector<16xf32>,
    tpu.vector_store %arg7[%swap3A_407], %broadcast_in_dim3A_406 {strides = array<i32>} : memref<2064xf32, #tpu.memory_space<vmem>>, vector<16xf32>,
    %broadcast_in_dim3A_409 = arith.constant 0.000000e+00 : f32
    %broadcast_in_dim3A_410 = vector.broadcast %broadcast_in_dim3A_409 : f32 to vector<16xf32>
    %swap3A_411 = arith.constant 1600 : index
    %swap3A_412 = tpu.vector_load %arg7[%swap3A_411] {strides = array<i32>} : memref<2064xf32, #tpu.memory_space<vmem>>, vector<16xf32>,
    tpu.vector_store %arg7[%swap3A_411], %broadcast_in_dim3A_410 {strides = array<i32>} : memref<2064xf32, #tpu.memory_space<vmem>>, vector<16xf32>,
    %broadcast_in_dim3A_413 = arith.constant 0.000000e+00 : f32
    %broadcast_in_dim3A_414 = vector.broadcast %broadcast_in_dim3A_413 : f32 to vector<16xf32>
    %swap3A_415 = arith.constant 1616 : index
    %swap3A_416 = tpu.vector_load %arg7[%swap3A_415] {strides = array<i32>} : memref<2064xf32, #tpu.memory_space<vmem>>, vector<16xf32>,
    tpu.vector_store %arg7[%swap3A_415], %broadcast_in_dim3A_414 {strides = array<i32>} : memref<2064xf32, #tpu.memory_space<vmem>>, vector<16xf32>,
    %broadcast_in_dim3A_417 = arith.constant 0.000000e+00 : f32
    %broadcast_in_dim3A_418 = vector.broadcast %broadcast_in_dim3A_417 : f32 to vector<16xf32>
    %swap3A_419 = arith.constant 1632 : index
    %swap3A_420 = tpu.vector_load %arg7[%swap3A_419] {strides = array<i32>} : memref<2064xf32, #tpu.memory_space<vmem>>, vector<16xf32>,
    tpu.vector_store %arg7[%swap3A_419], %broadcast_in_dim3A_418 {strides = array<i32>} : memref<2064xf32, #tpu.memory_space<vmem>>, vector<16xf32>,
    %broadcast_in_dim3A_421 = arith.constant 0.000000e+00 : f32
    %broadcast_in_dim3A_422 = vector.broadcast %broadcast_in_dim3A_421 : f32 to vector<16xf32>
    %swap3A_423 = arith.constant 1648 : index
    %swap3A_424 = tpu.vector_load %arg7[%swap3A_423] {strides = array<i32>} : memref<2064xf32, #tpu.memory_space<vmem>>, vector<16xf32>,
    tpu.vector_store %arg7[%swap3A_423], %broadcast_in_dim3A_422 {strides = array<i32>} : memref<2064xf32, #tpu.memory_space<vmem>>, vector<16xf32>,
    %broadcast_in_dim3A_425 = arith.constant 0.000000e+00 : f32
    %broadcast_in_dim3A_426 = vector.broadcast %broadcast_in_dim3A_425 : f32 to vector<16xf32>
    %swap3A_427 = arith.constant 1664 : index
    %swap3A_428 = tpu.vector_load %arg7[%swap3A_427] {strides = array<i32>} : memref<2064xf32, #tpu.memory_space<vmem>>, vector<16xf32>,
    tpu.vector_store %arg7[%swap3A_427], %broadcast_in_dim3A_426 {strides = array<i32>} : memref<2064xf32, #tpu.memory_space<vmem>>, vector<16xf32>,
    %broadcast_in_dim3A_429 = arith.constant 0.000000e+00 : f32
    %broadcast_in_dim3A_430 = vector.broadcast %broadcast_in_dim3A_429 : f32 to vector<16xf32>
    %swap3A_431 = arith.constant 1680 : index
    %swap3A_432 = tpu.vector_load %arg7[%swap3A_431] {strides = array<i32>} : memref<2064xf32, #tpu.memory_space<vmem>>, vector<16xf32>,
    tpu.vector_store %arg7[%swap3A_431], %broadcast_in_dim3A_430 {strides = array<i32>} : memref<2064xf32, #tpu.memory_space<vmem>>, vector<16xf32>,
    %broadcast_in_dim3A_433 = arith.constant 0.000000e+00 : f32
    %broadcast_in_dim3A_434 = vector.broadcast %broadcast_in_dim3A_433 : f32 to vector<16xf32>
    %swap3A_435 = arith.constant 1696 : index
    %swap3A_436 = tpu.vector_load %arg7[%swap3A_435] {strides = array<i32>} : memref<2064xf32, #tpu.memory_space<vmem>>, vector<16xf32>,
    tpu.vector_store %arg7[%swap3A_435], %broadcast_in_dim3A_434 {strides = array<i32>} : memref<2064xf32, #tpu.memory_space<vmem>>, vector<16xf32>,
    %broadcast_in_dim3A_437 = arith.constant 0.000000e+00 : f32
    %broadcast_in_dim3A_438 = vector.broadcast %broadcast_in_dim3A_437 : f32 to vector<16xf32>
    %swap3A_439 = arith.constant 1712 : index
    %swap3A_440 = tpu.vector_load %arg7[%swap3A_439] {strides = array<i32>} : memref<2064xf32, #tpu.memory_space<vmem>>, vector<16xf32>,
    tpu.vector_store %arg7[%swap3A_439], %broadcast_in_dim3A_438 {strides = array<i32>} : memref<2064xf32, #tpu.memory_space<vmem>>, vector<16xf32>,
    %broadcast_in_dim3A_441 = arith.constant 0.000000e+00 : f32
    %broadcast_in_dim3A_442 = vector.broadcast %broadcast_in_dim3A_441 : f32 to vector<16xf32>
    %swap3A_443 = arith.constant 1728 : index
    %swap3A_444 = tpu.vector_load %arg7[%swap3A_443] {strides = array<i32>} : memref<2064xf32, #tpu.memory_space<vmem>>, vector<16xf32>,
    tpu.vector_store %arg7[%swap3A_443], %broadcast_in_dim3A_442 {strides = array<i32>} : memref<2064xf32, #tpu.memory_space<vmem>>, vector<16xf32>,
    %broadcast_in_dim3A_445 = arith.constant 0.000000e+00 : f32
    %broadcast_in_dim3A_446 = vector.broadcast %broadcast_in_dim3A_445 : f32 to vector<16xf32>
    %swap3A_447 = arith.constant 1744 : index
    %swap3A_448 = tpu.vector_load %arg7[%swap3A_447] {strides = array<i32>} : memref<2064xf32, #tpu.memory_space<vmem>>, vector<16xf32>,
    tpu.vector_store %arg7[%swap3A_447], %broadcast_in_dim3A_446 {strides = array<i32>} : memref<2064xf32, #tpu.memory_space<vmem>>, vector<16xf32>,
    %broadcast_in_dim3A_449 = arith.constant 0.000000e+00 : f32
    %broadcast_in_dim3A_450 = vector.broadcast %broadcast_in_dim3A_449 : f32 to vector<16xf32>
    %swap3A_451 = arith.constant 1760 : index
    %swap3A_452 = tpu.vector_load %arg7[%swap3A_451] {strides = array<i32>} : memref<2064xf32, #tpu.memory_space<vmem>>, vector<16xf32>,
    tpu.vector_store %arg7[%swap3A_451], %broadcast_in_dim3A_450 {strides = array<i32>} : memref<2064xf32, #tpu.memory_space<vmem>>, vector<16xf32>,
    %broadcast_in_dim3A_453 = arith.constant 0.000000e+00 : f32
    %broadcast_in_dim3A_454 = vector.broadcast %broadcast_in_dim3A_453 : f32 to vector<16xf32>
    %swap3A_455 = arith.constant 1776 : index
    %swap3A_456 = tpu.vector_load %arg7[%swap3A_455] {strides = array<i32>} : memref<2064xf32, #tpu.memory_space<vmem>>, vector<16xf32>,
    tpu.vector_store %arg7[%swap3A_455], %broadcast_in_dim3A_454 {strides = array<i32>} : memref<2064xf32, #tpu.memory_space<vmem>>, vector<16xf32>,
    %broadcast_in_dim3A_457 = arith.constant 0.000000e+00 : f32
    %broadcast_in_dim3A_458 = vector.broadcast %broadcast_in_dim3A_457 : f32 to vector<16xf32>
    %swap3A_459 = arith.constant 1792 : index
    %swap3A_460 = tpu.vector_load %arg7[%swap3A_459] {strides = array<i32>} : memref<2064xf32, #tpu.memory_space<vmem>>, vector<16xf32>,
    tpu.vector_store %arg7[%swap3A_459], %broadcast_in_dim3A_458 {strides = array<i32>} : memref<2064xf32, #tpu.memory_space<vmem>>, vector<16xf32>,
    %broadcast_in_dim3A_461 = arith.constant 0.000000e+00 : f32
    %broadcast_in_dim3A_462 = vector.broadcast %broadcast_in_dim3A_461 : f32 to vector<16xf32>
    %swap3A_463 = arith.constant 1808 : index
    %swap3A_464 = tpu.vector_load %arg7[%swap3A_463] {strides = array<i32>} : memref<2064xf32, #tpu.memory_space<vmem>>, vector<16xf32>,
    tpu.vector_store %arg7[%swap3A_463], %broadcast_in_dim3A_462 {strides = array<i32>} : memref<2064xf32, #tpu.memory_space<vmem>>, vector<16xf32>,
    %broadcast_in_dim3A_465 = arith.constant 0.000000e+00 : f32
    %broadcast_in_dim3A_466 = vector.broadcast %broadcast_in_dim3A_465 : f32 to vector<16xf32>
    %swap3A_467 = arith.constant 1824 : index
    %swap3A_468 = tpu.vector_load %arg7[%swap3A_467] {strides = array<i32>} : memref<2064xf32, #tpu.memory_space<vmem>>, vector<16xf32>,
    tpu.vector_store %arg7[%swap3A_467], %broadcast_in_dim3A_466 {strides = array<i32>} : memref<2064xf32, #tpu.memory_space<vmem>>, vector<16xf32>,
    %broadcast_in_dim3A_469 = arith.constant 0.000000e+00 : f32
    %broadcast_in_dim3A_470 = vector.broadcast %broadcast_in_dim3A_469 : f32 to vector<16xf32>
    %swap3A_471 = arith.constant 1840 : index
    %swap3A_472 = tpu.vector_load %arg7[%swap3A_471] {strides = array<i32>} : memref<2064xf32, #tpu.memory_space<vmem>>, vector<16xf32>,
    tpu.vector_store %arg7[%swap3A_471], %broadcast_in_dim3A_470 {strides = array<i32>} : memref<2064xf32, #tpu.memory_space<vmem>>, vector<16xf32>,
    %broadcast_in_dim3A_473 = arith.constant 0.000000e+00 : f32
    %broadcast_in_dim3A_474 = vector.broadcast %broadcast_in_dim3A_473 : f32 to vector<16xf32>
    %swap3A_475 = arith.constant 1856 : index
    %swap3A_476 = tpu.vector_load %arg7[%swap3A_475] {strides = array<i32>} : memref<2064xf32, #tpu.memory_space<vmem>>, vector<16xf32>,
    tpu.vector_store %arg7[%swap3A_475], %broadcast_in_dim3A_474 {strides = array<i32>} : memref<2064xf32, #tpu.memory_space<vmem>>, vector<16xf32>,
    %broadcast_in_dim3A_477 = arith.constant 0.000000e+00 : f32
    %broadcast_in_dim3A_478 = vector.broadcast %broadcast_in_dim3A_477 : f32 to vector<16xf32>
    %swap3A_479 = arith.constant 1872 : index
    %swap3A_480 = tpu.vector_load %arg7[%swap3A_479] {strides = array<i32>} : memref<2064xf32, #tpu.memory_space<vmem>>, vector<16xf32>,
    tpu.vector_store %arg7[%swap3A_479], %broadcast_in_dim3A_478 {strides = array<i32>} : memref<2064xf32, #tpu.memory_space<vmem>>, vector<16xf32>,
    %broadcast_in_dim3A_481 = arith.constant 0.000000e+00 : f32
    %broadcast_in_dim3A_482 = vector.broadcast %broadcast_in_dim3A_481 : f32 to vector<16xf32>
    %swap3A_483 = arith.constant 1888 : index
    %swap3A_484 = tpu.vector_load %arg7[%swap3A_483] {strides = array<i32>} : memref<2064xf32, #tpu.memory_space<vmem>>, vector<16xf32>,
    tpu.vector_store %arg7[%swap3A_483], %broadcast_in_dim3A_482 {strides = array<i32>} : memref<2064xf32, #tpu.memory_space<vmem>>, vector<16xf32>,
    %broadcast_in_dim3A_485 = arith.constant 0.000000e+00 : f32
    %broadcast_in_dim3A_486 = vector.broadcast %broadcast_in_dim3A_485 : f32 to vector<16xf32>
    %swap3A_487 = arith.constant 1904 : index
    %swap3A_488 = tpu.vector_load %arg7[%swap3A_487] {strides = array<i32>} : memref<2064xf32, #tpu.memory_space<vmem>>, vector<16xf32>,
    tpu.vector_store %arg7[%swap3A_487], %broadcast_in_dim3A_486 {strides = array<i32>} : memref<2064xf32, #tpu.memory_space<vmem>>, vector<16xf32>,
    %broadcast_in_dim3A_489 = arith.constant 0.000000e+00 : f32
    %broadcast_in_dim3A_490 = vector.broadcast %broadcast_in_dim3A_489 : f32 to vector<16xf32>
    %swap3A_491 = arith.constant 1920 : index
    %swap3A_492 = tpu.vector_load %arg7[%swap3A_491] {strides = array<i32>} : memref<2064xf32, #tpu.memory_space<vmem>>, vector<16xf32>,
    tpu.vector_store %arg7[%swap3A_491], %broadcast_in_dim3A_490 {strides = array<i32>} : memref<2064xf32, #tpu.memory_space<vmem>>, vector<16xf32>,
    %broadcast_in_dim3A_493 = arith.constant 0.000000e+00 : f32
    %broadcast_in_dim3A_494 = vector.broadcast %broadcast_in_dim3A_493 : f32 to vector<16xf32>
    %swap3A_495 = arith.constant 1936 : index
    %swap3A_496 = tpu.vector_load %arg7[%swap3A_495] {strides = array<i32>} : memref<2064xf32, #tpu.memory_space<vmem>>, vector<16xf32>,
    tpu.vector_store %arg7[%swap3A_495], %broadcast_in_dim3A_494 {strides = array<i32>} : memref<2064xf32, #tpu.memory_space<vmem>>, vector<16xf32>,
    %broadcast_in_dim3A_497 = arith.constant 0.000000e+00 : f32
    %broadcast_in_dim3A_498 = vector.broadcast %broadcast_in_dim3A_497 : f32 to vector<16xf32>
    %swap3A_499 = arith.constant 1952 : index
    %swap3A_500 = tpu.vector_load %arg7[%swap3A_499] {strides = array<i32>} : memref<2064xf32, #tpu.memory_space<vmem>>, vector<16xf32>,
    tpu.vector_store %arg7[%swap3A_499], %broadcast_in_dim3A_498 {strides = array<i32>} : memref<2064xf32, #tpu.memory_space<vmem>>, vector<16xf32>,
    %broadcast_in_dim3A_501 = arith.constant 0.000000e+00 : f32
    %broadcast_in_dim3A_502 = vector.broadcast %broadcast_in_dim3A_501 : f32 to vector<16xf32>
    %swap3A_503 = arith.constant 1968 : index
    %swap3A_504 = tpu.vector_load %arg7[%swap3A_503] {strides = array<i32>} : memref<2064xf32, #tpu.memory_space<vmem>>, vector<16xf32>,
    tpu.vector_store %arg7[%swap3A_503], %broadcast_in_dim3A_502 {strides = array<i32>} : memref<2064xf32, #tpu.memory_space<vmem>>, vector<16xf32>,
    %broadcast_in_dim3A_505 = arith.constant 0.000000e+00 : f32
    %broadcast_in_dim3A_506 = vector.broadcast %broadcast_in_dim3A_505 : f32 to vector<16xf32>
    %swap3A_507 = arith.constant 1984 : index
    %swap3A_508 = tpu.vector_load %arg7[%swap3A_507] {strides = array<i32>} : memref<2064xf32, #tpu.memory_space<vmem>>, vector<16xf32>,
    tpu.vector_store %arg7[%swap3A_507], %broadcast_in_dim3A_506 {strides = array<i32>} : memref<2064xf32, #tpu.memory_space<vmem>>, vector<16xf32>,
    %broadcast_in_dim3A_509 = arith.constant 0.000000e+00 : f32
    %broadcast_in_dim3A_510 = vector.broadcast %broadcast_in_dim3A_509 : f32 to vector<16xf32>
    %swap3A_511 = arith.constant 2000 : index
    %swap3A_512 = tpu.vector_load %arg7[%swap3A_511] {strides = array<i32>} : memref<2064xf32, #tpu.memory_space<vmem>>, vector<16xf32>,
    tpu.vector_store %arg7[%swap3A_511], %broadcast_in_dim3A_510 {strides = array<i32>} : memref<2064xf32, #tpu.memory_space<vmem>>, vector<16xf32>,
    %broadcast_in_dim3A_513 = arith.constant 0.000000e+00 : f32
    %broadcast_in_dim3A_514 = vector.broadcast %broadcast_in_dim3A_513 : f32 to vector<16xf32>
    %swap3A_515 = arith.constant 2016 : index
    %swap3A_516 = tpu.vector_load %arg7[%swap3A_515] {strides = array<i32>} : memref<2064xf32, #tpu.memory_space<vmem>>, vector<16xf32>,
    tpu.vector_store %arg7[%swap3A_515], %broadcast_in_dim3A_514 {strides = array<i32>} : memref<2064xf32, #tpu.memory_space<vmem>>, vector<16xf32>,
    %broadcast_in_dim3A_517 = arith.constant 0.000000e+00 : f32
    %broadcast_in_dim3A_518 = vector.broadcast %broadcast_in_dim3A_517 : f32 to vector<16xf32>
    %swap3A_519 = arith.constant 2032 : index
    %swap3A_520 = tpu.vector_load %arg7[%swap3A_519] {strides = array<i32>} : memref<2064xf32, #tpu.memory_space<vmem>>, vector<16xf32>,
    tpu.vector_store %arg7[%swap3A_519], %broadcast_in_dim3A_518 {strides = array<i32>} : memref<2064xf32, #tpu.memory_space<vmem>>, vector<16xf32>,
    %broadcast_in_dim3A_521 = arith.constant 0.000000e+00 : f32
    %broadcast_in_dim3A_522 = vector.broadcast %broadcast_in_dim3A_521 : f32 to vector<16xf32>
    %swap3A_523 = arith.constant 2048 : index
    %swap3A_524 = tpu.vector_load %arg7[%swap3A_523] {strides = array<i32>} : memref<2064xf32, #tpu.memory_space<vmem>>, vector<16xf32>,
    tpu.vector_store %arg7[%swap3A_523], %broadcast_in_dim3A_522 {strides = array<i32>} : memref<2064xf32, #tpu.memory_space<vmem>>, vector<16xf32>,
    %dma_start3A_525 = arith.constant 3 : i32
    %dma_start3A_526 = arith.constant 0 : i32
    %dma_start3A_527 = arith.constant 0 : i32
    %dma_start3A_528 = arith.constant 0 : i32
    %dma_start3A_529 = arith.constant 0 : i32
    %dma_start3A_530 = tpu.memref_slice %arg6[%dma_start3A_526, %dma_start3A_527, %dma_start3A_528, %dma_start3A_529] : memref<2x16x1x512xf32, #tpu.memory_space<vmem>> -> memref<1x16x1x512xf32, #tpu.memory_space<vmem>>
    %dma_start3A_531 = tpu.memref_squeeze %dma_start3A_530 : memref<1x16x1x512xf32, #tpu.memory_space<vmem>> -> memref<16x1x512xf32, #tpu.memory_space<vmem>>
    %dma_start3A_532 = arith.constant 0 : i32
    %dma_start3A_533 = arith.constant 0 : i32
    %dma_start3A_534 = tpu.memref_slice %arg2[%dma_start3A_525, %dma_start3A_532, %add3A_4, %dma_start3A_533] : memref<4x16x512x512xf32, #tpu.memory_space<hbm>> -> memref<1x16x1x512xf32, #tpu.memory_space<hbm>>
    %dma_start3A_535 = tpu.memref_squeeze %dma_start3A_534 : memref<1x16x1x512xf32, #tpu.memory_space<hbm>> -> memref<16x1x512xf32, #tpu.memory_space<hbm>>
    %dma_start3A_536 = arith.constant 0 : i32
    %dma_start3A_537 = arith.constant 0 : i32
    %dma_start3A_538 = arith.constant 0 : i32
    %dma_start3A_539 = tpu.memref_slice %arg6[%dma_start3A_526, %dma_start3A_536, %dma_start3A_537, %dma_start3A_538] : memref<2x16x1x512xf32, #tpu.memory_space<vmem>> -> memref<1x16x1x512xf32, #tpu.memory_space<vmem>>
    %dma_start3A_540 = tpu.memref_squeeze %dma_start3A_539 : memref<1x16x1x512xf32, #tpu.memory_space<vmem>> -> memref<16x1x512xf32, #tpu.memory_space<vmem>>
    %dma_start3A_541 = arith.constant 0 : i32
    %dma_start3A_542 = arith.constant 0 : i32
    %dma_start3A_543 = tpu.memref_slice %arg2[%dma_start3A_525, %dma_start3A_541, %add3A_4, %dma_start3A_542] : memref<4x16x512x512xf32, #tpu.memory_space<hbm>> -> memref<1x16x1x512xf32, #tpu.memory_space<hbm>>
    %dma_start3A_544 = tpu.memref_squeeze %dma_start3A_543 : memref<1x16x1x512xf32, #tpu.memory_space<hbm>> -> memref<16x1x512xf32, #tpu.memory_space<hbm>>
    tpu.enqueue_dma source(%dma_start3A_544 : memref<16x1x512xf32, #tpu.memory_space<hbm>>) target(%dma_start3A_540 : memref<16x1x512xf32, #tpu.memory_space<vmem>>) target_semaphore(%arg10 : memref<!tpu.dma_semaphore, #tpu.memory_space<semaphore_mem>>)
    %dma_wait3A = arith.constant 3 : i32
    %dma_wait3A_545 = arith.constant 0 : i32
    %dma_wait3A_546 = tpu.memref_slice %arg3[%dma_wait3A, %add3A_4, %dma_wait3A_545] : memref<4x512x512xi32, #tpu.memory_space<hbm>> -> memref<1x1x512xi32, #tpu.memory_space<hbm>>
    %dma_wait3A_547 = tpu.memref_squeeze %dma_wait3A_546 : memref<1x1x512xi32, #tpu.memory_space<hbm>> -> memref<1x512xi32, #tpu.memory_space<hbm>>
    %dma_wait3A_548 = arith.constant 0 : i32
    %dma_wait3A_549 = tpu.memref_slice %arg3[%dma_wait3A, %add3A_4, %dma_wait3A_548] : memref<4x512x512xi32, #tpu.memory_space<hbm>> -> memref<1x1x512xi32, #tpu.memory_space<hbm>>
    %dma_wait3A_550 = tpu.memref_squeeze %dma_wait3A_549 : memref<1x1x512xi32, #tpu.memory_space<hbm>> -> memref<1x512xi32, #tpu.memory_space<hbm>>
    tpu.wait_dma2 semaphore(%arg9 : memref<!tpu.dma_semaphore, #tpu.memory_space<semaphore_mem>>) src(%dma_wait3A_550 : memref<1x512xi32, #tpu.memory_space<hbm>>) dst(%arg5 : memref<1x512xi32, #tpu.memory_space<vmem>>)
    %iota3A = tpu.iota {dimensions = array<i32: 0>} : vector<16xi32>
    %mul3A_551 = arith.constant 129 : i32
    %mul3A_552 = vector.broadcast %mul3A_551 : i32 to vector<16xi32>
    %mul3A_553 = arith.muli %iota3A, %mul3A_552 : vector<16xi32>
    %dma_wait3A_554 = arith.constant 3 : i32
    %dma_wait3A_555 = arith.constant 0 : i32
    %dma_wait3A_556 = arith.constant 0 : i32
    %dma_wait3A_557 = arith.constant 0 : i32
    %dma_wait3A_558 = arith.constant 0 : i32
    %dma_wait3A_559 = tpu.memref_slice %arg6[%dma_wait3A_555, %dma_wait3A_556, %dma_wait3A_557, %dma_wait3A_558] : memref<2x16x1x512xf32, #tpu.memory_space<vmem>> -> memref<1x16x1x512xf32, #tpu.memory_space<vmem>>
    %dma_wait3A_560 = tpu.memref_squeeze %dma_wait3A_559 : memref<1x16x1x512xf32, #tpu.memory_space<vmem>> -> memref<16x1x512xf32, #tpu.memory_space<vmem>>
    %dma_wait3A_561 = arith.constant 0 : i32
    %dma_wait3A_562 = arith.constant 0 : i32
    %dma_wait3A_563 = tpu.memref_slice %arg2[%dma_wait3A_554, %dma_wait3A_561, %add3A_4, %dma_wait3A_562] : memref<4x16x512x512xf32, #tpu.memory_space<hbm>> -> memref<1x16x1x512xf32, #tpu.memory_space<hbm>>
    %dma_wait3A_564 = tpu.memref_squeeze %dma_wait3A_563 : memref<1x16x1x512xf32, #tpu.memory_space<hbm>> -> memref<16x1x512xf32, #tpu.memory_space<hbm>>
    %dma_wait3A_565 = arith.constant 0 : i32
    %dma_wait3A_566 = arith.constant 0 : i32
    %dma_wait3A_567 = arith.constant 0 : i32
    %dma_wait3A_568 = tpu.memref_slice %arg6[%dma_wait3A_555, %dma_wait3A_565, %dma_wait3A_566, %dma_wait3A_567] : memref<2x16x1x512xf32, #tpu.memory_space<vmem>> -> memref<1x16x1x512xf32, #tpu.memory_space<vmem>>
    %dma_wait3A_569 = tpu.memref_squeeze %dma_wait3A_568 : memref<1x16x1x512xf32, #tpu.memory_space<vmem>> -> memref<16x1x512xf32, #tpu.memory_space<vmem>>
    %dma_wait3A_570 = arith.constant 0 : i32
    %dma_wait3A_571 = arith.constant 0 : i32
    %dma_wait3A_572 = tpu.memref_slice %arg2[%dma_wait3A_554, %dma_wait3A_570, %add3A_4, %dma_wait3A_571] : memref<4x16x512x512xf32, #tpu.memory_space<hbm>> -> memref<1x16x1x512xf32, #tpu.memory_space<hbm>>
    %dma_wait3A_573 = tpu.memref_squeeze %dma_wait3A_572 : memref<1x16x1x512xf32, #tpu.memory_space<hbm>> -> memref<16x1x512xf32, #tpu.memory_space<hbm>>
    tpu.wait_dma2 semaphore(%arg10 : memref<!tpu.dma_semaphore, #tpu.memory_space<semaphore_mem>>) src(%dma_wait3A_573 : memref<16x1x512xf32, #tpu.memory_space<hbm>>) dst(%dma_wait3A_569 : memref<16x1x512xf32, #tpu.memory_space<vmem>>)
    %scan3A = arith.constant 0 : i32
    %scan3A_574 = arith.constant 0 : i32
    %scan3A_575 = arith.constant 0 : i32
    %scan3A_576 = arith.constant 0 : i32
    %scan3A_577 = arith.constant 32 : i32
    %scan3A_578 = arith.addi %scan3A_576, %scan3A_577 : i32
    %scan3A_579 = arith.constant 1 : i32
    %scan3A_580 = scf.for %scan3A_991 = %scan3A_576 to %scan3A_578 step %scan3A_579 iter_args(%scan3A_992 = %scan3A_575) -> (i32)  : i32 {
      %add3A_993 = arith.constant 0 : i32
      %add3A_994 = arith.addi %add3A_993, %scan3A_574 : i32
      %mul3A_995 = arith.constant 16 : i32
      %mul3A_996 = arith.muli %scan3A_991, %mul3A_995 : i32
      %get3A_997 = arith.index_cast %add3A_994 : i32 to index
      %get3A_998 = arith.index_cast %mul3A_996 : i32 to index
      %get3A_999 = tpu.vector_load %arg5[%get3A_997, %get3A_998] {strides = array<i32>} : memref<1x512xi32, #tpu.memory_space<vmem>>, vector<16xi32>,
      %mul3A_1000 = arith.constant 16 : i32
      %mul3A_1001 = vector.broadcast %mul3A_1000 : i32 to vector<16xi32>
      %mul3A_1002 = arith.muli %get3A_999, %mul3A_1001 : vector<16xi32>
      %add3A_1003 = arith.addi %mul3A_1002, %mul3A_553 : vector<16xi32>
      %mul3A_1004 = arith.constant 16 : i32
      %mul3A_1005 = arith.muli %scan3A_991, %mul3A_1004 : i32
      %get3A_1006 = arith.constant 0 : i32
      %get3A_1007 = arith.constant 0 : i32
      %get3A_1008 = arith.index_cast %get3A_1006 : i32 to index
      %get3A_1009 = arith.index_cast %get3A_1007 : i32 to index
      %get3A_1010 = arith.index_cast %scan3A_574 : i32 to index
      %get3A_1011 = arith.index_cast %mul3A_1005 : i32 to index
      %get3A_1012 = tpu.vector_load %arg6[%get3A_1008, %get3A_1009, %get3A_1010, %get3A_1011] {strides = array<i32>} : memref<2x16x1x512xf32, #tpu.memory_space<vmem>>, vector<16xf32>,
      %add3A_1013 = arith.constant 0 : i32
      %add3A_1014 = vector.broadcast %add3A_1013 : i32 to vector<16xi32>
      %add3A_1015 = arith.addi %add3A_1003, %add3A_1014 : vector<16xi32>
      tpu.vector_store_idx %arg7[%add3A_1015], %get3A_1012 {add = true} : memref<2064xf32, #tpu.memory_space<vmem>>[vector<16xi32>], vector<16xf32>,
      %mul3A_1016 = arith.constant 16 : i32
      %mul3A_1017 = arith.muli %scan3A_991, %mul3A_1016 : i32
      %get3A_1018 = arith.constant 0 : i32
      %get3A_1019 = arith.constant 1 : i32
      %get3A_1020 = arith.index_cast %get3A_1018 : i32 to index
      %get3A_1021 = arith.index_cast %get3A_1019 : i32 to index
      %get3A_1022 = arith.index_cast %scan3A_574 : i32 to index
      %get3A_1023 = arith.index_cast %mul3A_1017 : i32 to index
      %get3A_1024 = tpu.vector_load %arg6[%get3A_1020, %get3A_1021, %get3A_1022, %get3A_1023] {strides = array<i32>} : memref<2x16x1x512xf32, #tpu.memory_space<vmem>>, vector<16xf32>,
      %add3A_1025 = arith.constant 1 : i32
      %add3A_1026 = vector.broadcast %add3A_1025 : i32 to vector<16xi32>
      %add3A_1027 = arith.addi %add3A_1003, %add3A_1026 : vector<16xi32>
      tpu.vector_store_idx %arg7[%add3A_1027], %get3A_1024 {add = true} : memref<2064xf32, #tpu.memory_space<vmem>>[vector<16xi32>], vector<16xf32>,
      %mul3A_1028 = arith.constant 16 : i32
      %mul3A_1029 = arith.muli %scan3A_991, %mul3A_1028 : i32
      %get3A_1030 = arith.constant 0 : i32
      %get3A_1031 = arith.constant 2 : i32
      %get3A_1032 = arith.index_cast %get3A_1030 : i32 to index
      %get3A_1033 = arith.index_cast %get3A_1031 : i32 to index
      %get3A_1034 = arith.index_cast %scan3A_574 : i32 to index
      %get3A_1035 = arith.index_cast %mul3A_1029 : i32 to index
      %get3A_1036 = tpu.vector_load %arg6[%get3A_1032, %get3A_1033, %get3A_1034, %get3A_1035] {strides = array<i32>} : memref<2x16x1x512xf32, #tpu.memory_space<vmem>>, vector<16xf32>,
      %add3A_1037 = arith.constant 2 : i32
      %add3A_1038 = vector.broadcast %add3A_1037 : i32 to vector<16xi32>
      %add3A_1039 = arith.addi %add3A_1003, %add3A_1038 : vector<16xi32>
      tpu.vector_store_idx %arg7[%add3A_1039], %get3A_1036 {add = true} : memref<2064xf32, #tpu.memory_space<vmem>>[vector<16xi32>], vector<16xf32>,
      %mul3A_1040 = arith.constant 16 : i32
      %mul3A_1041 = arith.muli %scan3A_991, %mul3A_1040 : i32
      %get3A_1042 = arith.constant 0 : i32
      %get3A_1043 = arith.constant 3 : i32
      %get3A_1044 = arith.index_cast %get3A_1042 : i32 to index
      %get3A_1045 = arith.index_cast %get3A_1043 : i32 to index
      %get3A_1046 = arith.index_cast %scan3A_574 : i32 to index
      %get3A_1047 = arith.index_cast %mul3A_1041 : i32 to index
      %get3A_1048 = tpu.vector_load %arg6[%get3A_1044, %get3A_1045, %get3A_1046, %get3A_1047] {strides = array<i32>} : memref<2x16x1x512xf32, #tpu.memory_space<vmem>>, vector<16xf32>,
      %add3A_1049 = arith.constant 3 : i32
      %add3A_1050 = vector.broadcast %add3A_1049 : i32 to vector<16xi32>
      %add3A_1051 = arith.addi %add3A_1003, %add3A_1050 : vector<16xi32>
      tpu.vector_store_idx %arg7[%add3A_1051], %get3A_1048 {add = true} : memref<2064xf32, #tpu.memory_space<vmem>>[vector<16xi32>], vector<16xf32>,
      %mul3A_1052 = arith.constant 16 : i32
      %mul3A_1053 = arith.muli %scan3A_991, %mul3A_1052 : i32
      %get3A_1054 = arith.constant 0 : i32
      %get3A_1055 = arith.constant 4 : i32
      %get3A_1056 = arith.index_cast %get3A_1054 : i32 to index
      %get3A_1057 = arith.index_cast %get3A_1055 : i32 to index
      %get3A_1058 = arith.index_cast %scan3A_574 : i32 to index
      %get3A_1059 = arith.index_cast %mul3A_1053 : i32 to index
      %get3A_1060 = tpu.vector_load %arg6[%get3A_1056, %get3A_1057, %get3A_1058, %get3A_1059] {strides = array<i32>} : memref<2x16x1x512xf32, #tpu.memory_space<vmem>>, vector<16xf32>,
      %add3A_1061 = arith.constant 4 : i32
      %add3A_1062 = vector.broadcast %add3A_1061 : i32 to vector<16xi32>
      %add3A_1063 = arith.addi %add3A_1003, %add3A_1062 : vector<16xi32>
      tpu.vector_store_idx %arg7[%add3A_1063], %get3A_1060 {add = true} : memref<2064xf32, #tpu.memory_space<vmem>>[vector<16xi32>], vector<16xf32>,
      %mul3A_1064 = arith.constant 16 : i32
      %mul3A_1065 = arith.muli %scan3A_991, %mul3A_1064 : i32
      %get3A_1066 = arith.constant 0 : i32
      %get3A_1067 = arith.constant 5 : i32
      %get3A_1068 = arith.index_cast %get3A_1066 : i32 to index
      %get3A_1069 = arith.index_cast %get3A_1067 : i32 to index
      %get3A_1070 = arith.index_cast %scan3A_574 : i32 to index
      %get3A_1071 = arith.index_cast %mul3A_1065 : i32 to index
      %get3A_1072 = tpu.vector_load %arg6[%get3A_1068, %get3A_1069, %get3A_1070, %get3A_1071] {strides = array<i32>} : memref<2x16x1x512xf32, #tpu.memory_space<vmem>>, vector<16xf32>,
      %add3A_1073 = arith.constant 5 : i32
      %add3A_1074 = vector.broadcast %add3A_1073 : i32 to vector<16xi32>
      %add3A_1075 = arith.addi %add3A_1003, %add3A_1074 : vector<16xi32>
      tpu.vector_store_idx %arg7[%add3A_1075], %get3A_1072 {add = true} : memref<2064xf32, #tpu.memory_space<vmem>>[vector<16xi32>], vector<16xf32>,
      %mul3A_1076 = arith.constant 16 : i32
      %mul3A_1077 = arith.muli %scan3A_991, %mul3A_1076 : i32
      %get3A_1078 = arith.constant 0 : i32
      %get3A_1079 = arith.constant 6 : i32
      %get3A_1080 = arith.index_cast %get3A_1078 : i32 to index
      %get3A_1081 = arith.index_cast %get3A_1079 : i32 to index
      %get3A_1082 = arith.index_cast %scan3A_574 : i32 to index
      %get3A_1083 = arith.index_cast %mul3A_1077 : i32 to index
      %get3A_1084 = tpu.vector_load %arg6[%get3A_1080, %get3A_1081, %get3A_1082, %get3A_1083] {strides = array<i32>} : memref<2x16x1x512xf32, #tpu.memory_space<vmem>>, vector<16xf32>,
      %add3A_1085 = arith.constant 6 : i32
      %add3A_1086 = vector.broadcast %add3A_1085 : i32 to vector<16xi32>
      %add3A_1087 = arith.addi %add3A_1003, %add3A_1086 : vector<16xi32>
      tpu.vector_store_idx %arg7[%add3A_1087], %get3A_1084 {add = true} : memref<2064xf32, #tpu.memory_space<vmem>>[vector<16xi32>], vector<16xf32>,
      %mul3A_1088 = arith.constant 16 : i32
      %mul3A_1089 = arith.muli %scan3A_991, %mul3A_1088 : i32
      %get3A_1090 = arith.constant 0 : i32
      %get3A_1091 = arith.constant 7 : i32
      %get3A_1092 = arith.index_cast %get3A_1090 : i32 to index
      %get3A_1093 = arith.index_cast %get3A_1091 : i32 to index
      %get3A_1094 = arith.index_cast %scan3A_574 : i32 to index
      %get3A_1095 = arith.index_cast %mul3A_1089 : i32 to index
      %get3A_1096 = tpu.vector_load %arg6[%get3A_1092, %get3A_1093, %get3A_1094, %get3A_1095] {strides = array<i32>} : memref<2x16x1x512xf32, #tpu.memory_space<vmem>>, vector<16xf32>,
      %add3A_1097 = arith.constant 7 : i32
      %add3A_1098 = vector.broadcast %add3A_1097 : i32 to vector<16xi32>
      %add3A_1099 = arith.addi %add3A_1003, %add3A_1098 : vector<16xi32>
      tpu.vector_store_idx %arg7[%add3A_1099], %get3A_1096 {add = true} : memref<2064xf32, #tpu.memory_space<vmem>>[vector<16xi32>], vector<16xf32>,
      %mul3A_1100 = arith.constant 16 : i32
      %mul3A_1101 = arith.muli %scan3A_991, %mul3A_1100 : i32
      %get3A_1102 = arith.constant 0 : i32
      %get3A_1103 = arith.constant 8 : i32
      %get3A_1104 = arith.index_cast %get3A_1102 : i32 to index
      %get3A_1105 = arith.index_cast %get3A_1103 : i32 to index
      %get3A_1106 = arith.index_cast %scan3A_574 : i32 to index
      %get3A_1107 = arith.index_cast %mul3A_1101 : i32 to index
      %get3A_1108 = tpu.vector_load %arg6[%get3A_1104, %get3A_1105, %get3A_1106, %get3A_1107] {strides = array<i32>} : memref<2x16x1x512xf32, #tpu.memory_space<vmem>>, vector<16xf32>,
      %add3A_1109 = arith.constant 8 : i32
      %add3A_1110 = vector.broadcast %add3A_1109 : i32 to vector<16xi32>
      %add3A_1111 = arith.addi %add3A_1003, %add3A_1110 : vector<16xi32>
      tpu.vector_store_idx %arg7[%add3A_1111], %get3A_1108 {add = true} : memref<2064xf32, #tpu.memory_space<vmem>>[vector<16xi32>], vector<16xf32>,
      %mul3A_1112 = arith.constant 16 : i32
      %mul3A_1113 = arith.muli %scan3A_991, %mul3A_1112 : i32
      %get3A_1114 = arith.constant 0 : i32
      %get3A_1115 = arith.constant 9 : i32
      %get3A_1116 = arith.index_cast %get3A_1114 : i32 to index
      %get3A_1117 = arith.index_cast %get3A_1115 : i32 to index
      %get3A_1118 = arith.index_cast %scan3A_574 : i32 to index
      %get3A_1119 = arith.index_cast %mul3A_1113 : i32 to index
      %get3A_1120 = tpu.vector_load %arg6[%get3A_1116, %get3A_1117, %get3A_1118, %get3A_1119] {strides = array<i32>} : memref<2x16x1x512xf32, #tpu.memory_space<vmem>>, vector<16xf32>,
      %add3A_1121 = arith.constant 9 : i32
      %add3A_1122 = vector.broadcast %add3A_1121 : i32 to vector<16xi32>
      %add3A_1123 = arith.addi %add3A_1003, %add3A_1122 : vector<16xi32>
      tpu.vector_store_idx %arg7[%add3A_1123], %get3A_1120 {add = true} : memref<2064xf32, #tpu.memory_space<vmem>>[vector<16xi32>], vector<16xf32>,
      %mul3A_1124 = arith.constant 16 : i32
      %mul3A_1125 = arith.muli %scan3A_991, %mul3A_1124 : i32
      %get3A_1126 = arith.constant 0 : i32
      %get3A_1127 = arith.constant 10 : i32
      %get3A_1128 = arith.index_cast %get3A_1126 : i32 to index
      %get3A_1129 = arith.index_cast %get3A_1127 : i32 to index
      %get3A_1130 = arith.index_cast %scan3A_574 : i32 to index
      %get3A_1131 = arith.index_cast %mul3A_1125 : i32 to index
      %get3A_1132 = tpu.vector_load %arg6[%get3A_1128, %get3A_1129, %get3A_1130, %get3A_1131] {strides = array<i32>} : memref<2x16x1x512xf32, #tpu.memory_space<vmem>>, vector<16xf32>,
      %add3A_1133 = arith.constant 10 : i32
      %add3A_1134 = vector.broadcast %add3A_1133 : i32 to vector<16xi32>
      %add3A_1135 = arith.addi %add3A_1003, %add3A_1134 : vector<16xi32>
      tpu.vector_store_idx %arg7[%add3A_1135], %get3A_1132 {add = true} : memref<2064xf32, #tpu.memory_space<vmem>>[vector<16xi32>], vector<16xf32>,
      %mul3A_1136 = arith.constant 16 : i32
      %mul3A_1137 = arith.muli %scan3A_991, %mul3A_1136 : i32
      %get3A_1138 = arith.constant 0 : i32
      %get3A_1139 = arith.constant 11 : i32
      %get3A_1140 = arith.index_cast %get3A_1138 : i32 to index
      %get3A_1141 = arith.index_cast %get3A_1139 : i32 to index
      %get3A_1142 = arith.index_cast %scan3A_574 : i32 to index
      %get3A_1143 = arith.index_cast %mul3A_1137 : i32 to index
      %get3A_1144 = tpu.vector_load %arg6[%get3A_1140, %get3A_1141, %get3A_1142, %get3A_1143] {strides = array<i32>} : memref<2x16x1x512xf32, #tpu.memory_space<vmem>>, vector<16xf32>,
      %add3A_1145 = arith.constant 11 : i32
      %add3A_1146 = vector.broadcast %add3A_1145 : i32 to vector<16xi32>
      %add3A_1147 = arith.addi %add3A_1003, %add3A_1146 : vector<16xi32>
      tpu.vector_store_idx %arg7[%add3A_1147], %get3A_1144 {add = true} : memref<2064xf32, #tpu.memory_space<vmem>>[vector<16xi32>], vector<16xf32>,
      %mul3A_1148 = arith.constant 16 : i32
      %mul3A_1149 = arith.muli %scan3A_991, %mul3A_1148 : i32
      %get3A_1150 = arith.constant 0 : i32
      %get3A_1151 = arith.constant 12 : i32
      %get3A_1152 = arith.index_cast %get3A_1150 : i32 to index
      %get3A_1153 = arith.index_cast %get3A_1151 : i32 to index
      %get3A_1154 = arith.index_cast %scan3A_574 : i32 to index
      %get3A_1155 = arith.index_cast %mul3A_1149 : i32 to index
      %get3A_1156 = tpu.vector_load %arg6[%get3A_1152, %get3A_1153, %get3A_1154, %get3A_1155] {strides = array<i32>} : memref<2x16x1x512xf32, #tpu.memory_space<vmem>>, vector<16xf32>,
      %add3A_1157 = arith.constant 12 : i32
      %add3A_1158 = vector.broadcast %add3A_1157 : i32 to vector<16xi32>
      %add3A_1159 = arith.addi %add3A_1003, %add3A_1158 : vector<16xi32>
      tpu.vector_store_idx %arg7[%add3A_1159], %get3A_1156 {add = true} : memref<2064xf32, #tpu.memory_space<vmem>>[vector<16xi32>], vector<16xf32>,
      %mul3A_1160 = arith.constant 16 : i32
      %mul3A_1161 = arith.muli %scan3A_991, %mul3A_1160 : i32
      %get3A_1162 = arith.constant 0 : i32
      %get3A_1163 = arith.constant 13 : i32
      %get3A_1164 = arith.index_cast %get3A_1162 : i32 to index
      %get3A_1165 = arith.index_cast %get3A_1163 : i32 to index
      %get3A_1166 = arith.index_cast %scan3A_574 : i32 to index
      %get3A_1167 = arith.index_cast %mul3A_1161 : i32 to index
      %get3A_1168 = tpu.vector_load %arg6[%get3A_1164, %get3A_1165, %get3A_1166, %get3A_1167] {strides = array<i32>} : memref<2x16x1x512xf32, #tpu.memory_space<vmem>>, vector<16xf32>,
      %add3A_1169 = arith.constant 13 : i32
      %add3A_1170 = vector.broadcast %add3A_1169 : i32 to vector<16xi32>
      %add3A_1171 = arith.addi %add3A_1003, %add3A_1170 : vector<16xi32>
      tpu.vector_store_idx %arg7[%add3A_1171], %get3A_1168 {add = true} : memref<2064xf32, #tpu.memory_space<vmem>>[vector<16xi32>], vector<16xf32>,
      %mul3A_1172 = arith.constant 16 : i32
      %mul3A_1173 = arith.muli %scan3A_991, %mul3A_1172 : i32
      %get3A_1174 = arith.constant 0 : i32
      %get3A_1175 = arith.constant 14 : i32
      %get3A_1176 = arith.index_cast %get3A_1174 : i32 to index
      %get3A_1177 = arith.index_cast %get3A_1175 : i32 to index
      %get3A_1178 = arith.index_cast %scan3A_574 : i32 to index
      %get3A_1179 = arith.index_cast %mul3A_1173 : i32 to index
      %get3A_1180 = tpu.vector_load %arg6[%get3A_1176, %get3A_1177, %get3A_1178, %get3A_1179] {strides = array<i32>} : memref<2x16x1x512xf32, #tpu.memory_space<vmem>>, vector<16xf32>,
      %add3A_1181 = arith.constant 14 : i32
      %add3A_1182 = vector.broadcast %add3A_1181 : i32 to vector<16xi32>
      %add3A_1183 = arith.addi %add3A_1003, %add3A_1182 : vector<16xi32>
      tpu.vector_store_idx %arg7[%add3A_1183], %get3A_1180 {add = true} : memref<2064xf32, #tpu.memory_space<vmem>>[vector<16xi32>], vector<16xf32>,
      %mul3A_1184 = arith.constant 16 : i32
      %mul3A_1185 = arith.muli %scan3A_991, %mul3A_1184 : i32
      %get3A_1186 = arith.constant 0 : i32
      %get3A_1187 = arith.constant 15 : i32
      %get3A_1188 = arith.index_cast %get3A_1186 : i32 to index
      %get3A_1189 = arith.index_cast %get3A_1187 : i32 to index
      %get3A_1190 = arith.index_cast %scan3A_574 : i32 to index
      %get3A_1191 = arith.index_cast %mul3A_1185 : i32 to index
      %get3A_1192 = tpu.vector_load %arg6[%get3A_1188, %get3A_1189, %get3A_1190, %get3A_1191] {strides = array<i32>} : memref<2x16x1x512xf32, #tpu.memory_space<vmem>>, vector<16xf32>,
      %add3A_1193 = arith.constant 15 : i32
      %add3A_1194 = vector.broadcast %add3A_1193 : i32 to vector<16xi32>
      %add3A_1195 = arith.addi %add3A_1003, %add3A_1194 : vector<16xi32>
      tpu.vector_store_idx %arg7[%add3A_1195], %get3A_1192 {add = true} : memref<2064xf32, #tpu.memory_space<vmem>>[vector<16xi32>], vector<16xf32>,
      %scan3A_1196 = arith.constant 0 : i32
      scf.yield %scan3A_1196 : i32
    }
    %scan3A_581 = arith.constant 32 : i32
    %scan3A_582 = arith.constant 0 : i32
    %scan3A_583 = arith.constant 1 : i32
    %get3A = arith.constant 0 : index
    %get3A_584 = tpu.vector_load %arg7[%get3A] {strides = array<i32>} : memref<2064xf32, #tpu.memory_space<vmem>>, vector<16xf32>,
    %get3A_585 = arith.constant 129 : index
    %get3A_586 = tpu.vector_load %arg7[%get3A_585] {strides = array<i32>} : memref<2064xf32, #tpu.memory_space<vmem>>, vector<16xf32>,
    %add3A_587 = arith.addf %get3A_584, %get3A_586 : vector<16xf32>
    %get3A_588 = arith.constant 258 : index
    %get3A_589 = tpu.vector_load %arg7[%get3A_588] {strides = array<i32>} : memref<2064xf32, #tpu.memory_space<vmem>>, vector<16xf32>,
    %add3A_590 = arith.addf %add3A_587, %get3A_589 : vector<16xf32>
    %get3A_591 = arith.constant 387 : index
    %get3A_592 = tpu.vector_load %arg7[%get3A_591] {strides = array<i32>} : memref<2064xf32, #tpu.memory_space<vmem>>, vector<16xf32>,
    %add3A_593 = arith.addf %add3A_590, %get3A_592 : vector<16xf32>
    %get3A_594 = arith.constant 516 : index
    %get3A_595 = tpu.vector_load %arg7[%get3A_594] {strides = array<i32>} : memref<2064xf32, #tpu.memory_space<vmem>>, vector<16xf32>,
    %add3A_596 = arith.addf %add3A_593, %get3A_595 : vector<16xf32>
    %get3A_597 = arith.constant 645 : index
    %get3A_598 = tpu.vector_load %arg7[%get3A_597] {strides = array<i32>} : memref<2064xf32, #tpu.memory_space<vmem>>, vector<16xf32>,
    %add3A_599 = arith.addf %add3A_596, %get3A_598 : vector<16xf32>
    %get3A_600 = arith.constant 774 : index
    %get3A_601 = tpu.vector_load %arg7[%get3A_600] {strides = array<i32>} : memref<2064xf32, #tpu.memory_space<vmem>>, vector<16xf32>,
    %add3A_602 = arith.addf %add3A_599, %get3A_601 : vector<16xf32>
    %get3A_603 = arith.constant 903 : index
    %get3A_604 = tpu.vector_load %arg7[%get3A_603] {strides = array<i32>} : memref<2064xf32, #tpu.memory_space<vmem>>, vector<16xf32>,
    %add3A_605 = arith.addf %add3A_602, %get3A_604 : vector<16xf32>
    %get3A_606 = arith.constant 1032 : index
    %get3A_607 = tpu.vector_load %arg7[%get3A_606] {strides = array<i32>} : memref<2064xf32, #tpu.memory_space<vmem>>, vector<16xf32>,
    %add3A_608 = arith.addf %add3A_605, %get3A_607 : vector<16xf32>
    %get3A_609 = arith.constant 1161 : index
    %get3A_610 = tpu.vector_load %arg7[%get3A_609] {strides = array<i32>} : memref<2064xf32, #tpu.memory_space<vmem>>, vector<16xf32>,
    %add3A_611 = arith.addf %add3A_608, %get3A_610 : vector<16xf32>
    %get3A_612 = arith.constant 1290 : index
    %get3A_613 = tpu.vector_load %arg7[%get3A_612] {strides = array<i32>} : memref<2064xf32, #tpu.memory_space<vmem>>, vector<16xf32>,
    %add3A_614 = arith.addf %add3A_611, %get3A_613 : vector<16xf32>
    %get3A_615 = arith.constant 1419 : index
    %get3A_616 = tpu.vector_load %arg7[%get3A_615] {strides = array<i32>} : memref<2064xf32, #tpu.memory_space<vmem>>, vector<16xf32>,
    %add3A_617 = arith.addf %add3A_614, %get3A_616 : vector<16xf32>
    %get3A_618 = arith.constant 1548 : index
    %get3A_619 = tpu.vector_load %arg7[%get3A_618] {strides = array<i32>} : memref<2064xf32, #tpu.memory_space<vmem>>, vector<16xf32>,
    %add3A_620 = arith.addf %add3A_617, %get3A_619 : vector<16xf32>
    %get3A_621 = arith.constant 1677 : index
    %get3A_622 = tpu.vector_load %arg7[%get3A_621] {strides = array<i32>} : memref<2064xf32, #tpu.memory_space<vmem>>, vector<16xf32>,
    %add3A_623 = arith.addf %add3A_620, %get3A_622 : vector<16xf32>
    %get3A_624 = arith.constant 1806 : index
    %get3A_625 = tpu.vector_load %arg7[%get3A_624] {strides = array<i32>} : memref<2064xf32, #tpu.memory_space<vmem>>, vector<16xf32>,
    %add3A_626 = arith.addf %add3A_623, %get3A_625 : vector<16xf32>
    %get3A_627 = arith.constant 1935 : index
    %get3A_628 = tpu.vector_load %arg7[%get3A_627] {strides = array<i32>} : memref<2064xf32, #tpu.memory_space<vmem>>, vector<16xf32>,
    %add3A_629 = arith.addf %add3A_626, %get3A_628 : vector<16xf32>
    %swap3A_630 = arith.constant 0 : i32
    %swap3A_631 = arith.index_cast %swap3A_630 : i32 to index
    %swap3A_632 = arith.constant 0 : index
    %swap3A_633 = tpu.vector_load %arg8[%swap3A_631, %swap3A_632] {strides = array<i32>} : memref<8x16xf32, #tpu.memory_space<vmem>>, vector<16xf32>,
    tpu.vector_store %arg8[%swap3A_631, %swap3A_632], %add3A_629 {strides = array<i32>} : memref<8x16xf32, #tpu.memory_space<vmem>>, vector<16xf32>,
    %get3A_634 = arith.constant 16 : index
    %get3A_635 = tpu.vector_load %arg7[%get3A_634] {strides = array<i32>} : memref<2064xf32, #tpu.memory_space<vmem>>, vector<16xf32>,
    %get3A_636 = arith.constant 145 : index
    %get3A_637 = tpu.vector_load %arg7[%get3A_636] {strides = array<i32>} : memref<2064xf32, #tpu.memory_space<vmem>>, vector<16xf32>,
    %add3A_638 = arith.addf %get3A_635, %get3A_637 : vector<16xf32>
    %get3A_639 = arith.constant 274 : index
    %get3A_640 = tpu.vector_load %arg7[%get3A_639] {strides = array<i32>} : memref<2064xf32, #tpu.memory_space<vmem>>, vector<16xf32>,
    %add3A_641 = arith.addf %add3A_638, %get3A_640 : vector<16xf32>
    %get3A_642 = arith.constant 403 : index
    %get3A_643 = tpu.vector_load %arg7[%get3A_642] {strides = array<i32>} : memref<2064xf32, #tpu.memory_space<vmem>>, vector<16xf32>,
    %add3A_644 = arith.addf %add3A_641, %get3A_643 : vector<16xf32>
    %get3A_645 = arith.constant 532 : index
    %get3A_646 = tpu.vector_load %arg7[%get3A_645] {strides = array<i32>} : memref<2064xf32, #tpu.memory_space<vmem>>, vector<16xf32>,
    %add3A_647 = arith.addf %add3A_644, %get3A_646 : vector<16xf32>
    %get3A_648 = arith.constant 661 : index
    %get3A_649 = tpu.vector_load %arg7[%get3A_648] {strides = array<i32>} : memref<2064xf32, #tpu.memory_space<vmem>>, vector<16xf32>,
    %add3A_650 = arith.addf %add3A_647, %get3A_649 : vector<16xf32>
    %get3A_651 = arith.constant 790 : index
    %get3A_652 = tpu.vector_load %arg7[%get3A_651] {strides = array<i32>} : memref<2064xf32, #tpu.memory_space<vmem>>, vector<16xf32>,
    %add3A_653 = arith.addf %add3A_650, %get3A_652 : vector<16xf32>
    %get3A_654 = arith.constant 919 : index
    %get3A_655 = tpu.vector_load %arg7[%get3A_654] {strides = array<i32>} : memref<2064xf32, #tpu.memory_space<vmem>>, vector<16xf32>,
    %add3A_656 = arith.addf %add3A_653, %get3A_655 : vector<16xf32>
    %get3A_657 = arith.constant 1048 : index
    %get3A_658 = tpu.vector_load %arg7[%get3A_657] {strides = array<i32>} : memref<2064xf32, #tpu.memory_space<vmem>>, vector<16xf32>,
    %add3A_659 = arith.addf %add3A_656, %get3A_658 : vector<16xf32>
    %get3A_660 = arith.constant 1177 : index
    %get3A_661 = tpu.vector_load %arg7[%get3A_660] {strides = array<i32>} : memref<2064xf32, #tpu.memory_space<vmem>>, vector<16xf32>,
    %add3A_662 = arith.addf %add3A_659, %get3A_661 : vector<16xf32>
    %get3A_663 = arith.constant 1306 : index
    %get3A_664 = tpu.vector_load %arg7[%get3A_663] {strides = array<i32>} : memref<2064xf32, #tpu.memory_space<vmem>>, vector<16xf32>,
    %add3A_665 = arith.addf %add3A_662, %get3A_664 : vector<16xf32>
    %get3A_666 = arith.constant 1435 : index
    %get3A_667 = tpu.vector_load %arg7[%get3A_666] {strides = array<i32>} : memref<2064xf32, #tpu.memory_space<vmem>>, vector<16xf32>,
    %add3A_668 = arith.addf %add3A_665, %get3A_667 : vector<16xf32>
    %get3A_669 = arith.constant 1564 : index
    %get3A_670 = tpu.vector_load %arg7[%get3A_669] {strides = array<i32>} : memref<2064xf32, #tpu.memory_space<vmem>>, vector<16xf32>,
    %add3A_671 = arith.addf %add3A_668, %get3A_670 : vector<16xf32>
    %get3A_672 = arith.constant 1693 : index
    %get3A_673 = tpu.vector_load %arg7[%get3A_672] {strides = array<i32>} : memref<2064xf32, #tpu.memory_space<vmem>>, vector<16xf32>,
    %add3A_674 = arith.addf %add3A_671, %get3A_673 : vector<16xf32>
    %get3A_675 = arith.constant 1822 : index
    %get3A_676 = tpu.vector_load %arg7[%get3A_675] {strides = array<i32>} : memref<2064xf32, #tpu.memory_space<vmem>>, vector<16xf32>,
    %add3A_677 = arith.addf %add3A_674, %get3A_676 : vector<16xf32>
    %get3A_678 = arith.constant 1951 : index
    %get3A_679 = tpu.vector_load %arg7[%get3A_678] {strides = array<i32>} : memref<2064xf32, #tpu.memory_space<vmem>>, vector<16xf32>,
    %add3A_680 = arith.addf %add3A_677, %get3A_679 : vector<16xf32>
    %swap3A_681 = arith.constant 1 : i32
    %swap3A_682 = arith.index_cast %swap3A_681 : i32 to index
    %swap3A_683 = arith.constant 0 : index
    %swap3A_684 = tpu.vector_load %arg8[%swap3A_682, %swap3A_683] {strides = array<i32>} : memref<8x16xf32, #tpu.memory_space<vmem>>, vector<16xf32>,
    tpu.vector_store %arg8[%swap3A_682, %swap3A_683], %add3A_680 {strides = array<i32>} : memref<8x16xf32, #tpu.memory_space<vmem>>, vector<16xf32>,
    %get3A_685 = arith.constant 32 : index
    %get3A_686 = tpu.vector_load %arg7[%get3A_685] {strides = array<i32>} : memref<2064xf32, #tpu.memory_space<vmem>>, vector<16xf32>,
    %get3A_687 = arith.constant 161 : index
    %get3A_688 = tpu.vector_load %arg7[%get3A_687] {strides = array<i32>} : memref<2064xf32, #tpu.memory_space<vmem>>, vector<16xf32>,
    %add3A_689 = arith.addf %get3A_686, %get3A_688 : vector<16xf32>
    %get3A_690 = arith.constant 290 : index
    %get3A_691 = tpu.vector_load %arg7[%get3A_690] {strides = array<i32>} : memref<2064xf32, #tpu.memory_space<vmem>>, vector<16xf32>,
    %add3A_692 = arith.addf %add3A_689, %get3A_691 : vector<16xf32>
    %get3A_693 = arith.constant 419 : index
    %get3A_694 = tpu.vector_load %arg7[%get3A_693] {strides = array<i32>} : memref<2064xf32, #tpu.memory_space<vmem>>, vector<16xf32>,
    %add3A_695 = arith.addf %add3A_692, %get3A_694 : vector<16xf32>
    %get3A_696 = arith.constant 548 : index
    %get3A_697 = tpu.vector_load %arg7[%get3A_696] {strides = array<i32>} : memref<2064xf32, #tpu.memory_space<vmem>>, vector<16xf32>,
    %add3A_698 = arith.addf %add3A_695, %get3A_697 : vector<16xf32>
    %get3A_699 = arith.constant 677 : index
    %get3A_700 = tpu.vector_load %arg7[%get3A_699] {strides = array<i32>} : memref<2064xf32, #tpu.memory_space<vmem>>, vector<16xf32>,
    %add3A_701 = arith.addf %add3A_698, %get3A_700 : vector<16xf32>
    %get3A_702 = arith.constant 806 : index
    %get3A_703 = tpu.vector_load %arg7[%get3A_702] {strides = array<i32>} : memref<2064xf32, #tpu.memory_space<vmem>>, vector<16xf32>,
    %add3A_704 = arith.addf %add3A_701, %get3A_703 : vector<16xf32>
    %get3A_705 = arith.constant 935 : index
    %get3A_706 = tpu.vector_load %arg7[%get3A_705] {strides = array<i32>} : memref<2064xf32, #tpu.memory_space<vmem>>, vector<16xf32>,
    %add3A_707 = arith.addf %add3A_704, %get3A_706 : vector<16xf32>
    %get3A_708 = arith.constant 1064 : index
    %get3A_709 = tpu.vector_load %arg7[%get3A_708] {strides = array<i32>} : memref<2064xf32, #tpu.memory_space<vmem>>, vector<16xf32>,
    %add3A_710 = arith.addf %add3A_707, %get3A_709 : vector<16xf32>
    %get3A_711 = arith.constant 1193 : index
    %get3A_712 = tpu.vector_load %arg7[%get3A_711] {strides = array<i32>} : memref<2064xf32, #tpu.memory_space<vmem>>, vector<16xf32>,
    %add3A_713 = arith.addf %add3A_710, %get3A_712 : vector<16xf32>
    %get3A_714 = arith.constant 1322 : index
    %get3A_715 = tpu.vector_load %arg7[%get3A_714] {strides = array<i32>} : memref<2064xf32, #tpu.memory_space<vmem>>, vector<16xf32>,
    %add3A_716 = arith.addf %add3A_713, %get3A_715 : vector<16xf32>
    %get3A_717 = arith.constant 1451 : index
    %get3A_718 = tpu.vector_load %arg7[%get3A_717] {strides = array<i32>} : memref<2064xf32, #tpu.memory_space<vmem>>, vector<16xf32>,
    %add3A_719 = arith.addf %add3A_716, %get3A_718 : vector<16xf32>
    %get3A_720 = arith.constant 1580 : index
    %get3A_721 = tpu.vector_load %arg7[%get3A_720] {strides = array<i32>} : memref<2064xf32, #tpu.memory_space<vmem>>, vector<16xf32>,
    %add3A_722 = arith.addf %add3A_719, %get3A_721 : vector<16xf32>
    %get3A_723 = arith.constant 1709 : index
    %get3A_724 = tpu.vector_load %arg7[%get3A_723] {strides = array<i32>} : memref<2064xf32, #tpu.memory_space<vmem>>, vector<16xf32>,
    %add3A_725 = arith.addf %add3A_722, %get3A_724 : vector<16xf32>
    %get3A_726 = arith.constant 1838 : index
    %get3A_727 = tpu.vector_load %arg7[%get3A_726] {strides = array<i32>} : memref<2064xf32, #tpu.memory_space<vmem>>, vector<16xf32>,
    %add3A_728 = arith.addf %add3A_725, %get3A_727 : vector<16xf32>
    %get3A_729 = arith.constant 1967 : index
    %get3A_730 = tpu.vector_load %arg7[%get3A_729] {strides = array<i32>} : memref<2064xf32, #tpu.memory_space<vmem>>, vector<16xf32>,
    %add3A_731 = arith.addf %add3A_728, %get3A_730 : vector<16xf32>
    %swap3A_732 = arith.constant 2 : i32
    %swap3A_733 = arith.index_cast %swap3A_732 : i32 to index
    %swap3A_734 = arith.constant 0 : index
    %swap3A_735 = tpu.vector_load %arg8[%swap3A_733, %swap3A_734] {strides = array<i32>} : memref<8x16xf32, #tpu.memory_space<vmem>>, vector<16xf32>,
    tpu.vector_store %arg8[%swap3A_733, %swap3A_734], %add3A_731 {strides = array<i32>} : memref<8x16xf32, #tpu.memory_space<vmem>>, vector<16xf32>,
    %get3A_736 = arith.constant 48 : index
    %get3A_737 = tpu.vector_load %arg7[%get3A_736] {strides = array<i32>} : memref<2064xf32, #tpu.memory_space<vmem>>, vector<16xf32>,
    %get3A_738 = arith.constant 177 : index
    %get3A_739 = tpu.vector_load %arg7[%get3A_738] {strides = array<i32>} : memref<2064xf32, #tpu.memory_space<vmem>>, vector<16xf32>,
    %add3A_740 = arith.addf %get3A_737, %get3A_739 : vector<16xf32>
    %get3A_741 = arith.constant 306 : index
    %get3A_742 = tpu.vector_load %arg7[%get3A_741] {strides = array<i32>} : memref<2064xf32, #tpu.memory_space<vmem>>, vector<16xf32>,
    %add3A_743 = arith.addf %add3A_740, %get3A_742 : vector<16xf32>
    %get3A_744 = arith.constant 435 : index
    %get3A_745 = tpu.vector_load %arg7[%get3A_744] {strides = array<i32>} : memref<2064xf32, #tpu.memory_space<vmem>>, vector<16xf32>,
    %add3A_746 = arith.addf %add3A_743, %get3A_745 : vector<16xf32>
    %get3A_747 = arith.constant 564 : index
    %get3A_748 = tpu.vector_load %arg7[%get3A_747] {strides = array<i32>} : memref<2064xf32, #tpu.memory_space<vmem>>, vector<16xf32>,
    %add3A_749 = arith.addf %add3A_746, %get3A_748 : vector<16xf32>
    %get3A_750 = arith.constant 693 : index
    %get3A_751 = tpu.vector_load %arg7[%get3A_750] {strides = array<i32>} : memref<2064xf32, #tpu.memory_space<vmem>>, vector<16xf32>,
    %add3A_752 = arith.addf %add3A_749, %get3A_751 : vector<16xf32>
    %get3A_753 = arith.constant 822 : index
    %get3A_754 = tpu.vector_load %arg7[%get3A_753] {strides = array<i32>} : memref<2064xf32, #tpu.memory_space<vmem>>, vector<16xf32>,
    %add3A_755 = arith.addf %add3A_752, %get3A_754 : vector<16xf32>
    %get3A_756 = arith.constant 951 : index
    %get3A_757 = tpu.vector_load %arg7[%get3A_756] {strides = array<i32>} : memref<2064xf32, #tpu.memory_space<vmem>>, vector<16xf32>,
    %add3A_758 = arith.addf %add3A_755, %get3A_757 : vector<16xf32>
    %get3A_759 = arith.constant 1080 : index
    %get3A_760 = tpu.vector_load %arg7[%get3A_759] {strides = array<i32>} : memref<2064xf32, #tpu.memory_space<vmem>>, vector<16xf32>,
    %add3A_761 = arith.addf %add3A_758, %get3A_760 : vector<16xf32>
    %get3A_762 = arith.constant 1209 : index
    %get3A_763 = tpu.vector_load %arg7[%get3A_762] {strides = array<i32>} : memref<2064xf32, #tpu.memory_space<vmem>>, vector<16xf32>,
    %add3A_764 = arith.addf %add3A_761, %get3A_763 : vector<16xf32>
    %get3A_765 = arith.constant 1338 : index
    %get3A_766 = tpu.vector_load %arg7[%get3A_765] {strides = array<i32>} : memref<2064xf32, #tpu.memory_space<vmem>>, vector<16xf32>,
    %add3A_767 = arith.addf %add3A_764, %get3A_766 : vector<16xf32>
    %get3A_768 = arith.constant 1467 : index
    %get3A_769 = tpu.vector_load %arg7[%get3A_768] {strides = array<i32>} : memref<2064xf32, #tpu.memory_space<vmem>>, vector<16xf32>,
    %add3A_770 = arith.addf %add3A_767, %get3A_769 : vector<16xf32>
    %get3A_771 = arith.constant 1596 : index
    %get3A_772 = tpu.vector_load %arg7[%get3A_771] {strides = array<i32>} : memref<2064xf32, #tpu.memory_space<vmem>>, vector<16xf32>,
    %add3A_773 = arith.addf %add3A_770, %get3A_772 : vector<16xf32>
    %get3A_774 = arith.constant 1725 : index
    %get3A_775 = tpu.vector_load %arg7[%get3A_774] {strides = array<i32>} : memref<2064xf32, #tpu.memory_space<vmem>>, vector<16xf32>,
    %add3A_776 = arith.addf %add3A_773, %get3A_775 : vector<16xf32>
    %get3A_777 = arith.constant 1854 : index
    %get3A_778 = tpu.vector_load %arg7[%get3A_777] {strides = array<i32>} : memref<2064xf32, #tpu.memory_space<vmem>>, vector<16xf32>,
    %add3A_779 = arith.addf %add3A_776, %get3A_778 : vector<16xf32>
    %get3A_780 = arith.constant 1983 : index
    %get3A_781 = tpu.vector_load %arg7[%get3A_780] {strides = array<i32>} : memref<2064xf32, #tpu.memory_space<vmem>>, vector<16xf32>,
    %add3A_782 = arith.addf %add3A_779, %get3A_781 : vector<16xf32>
    %swap3A_783 = arith.constant 3 : i32
    %swap3A_784 = arith.index_cast %swap3A_783 : i32 to index
    %swap3A_785 = arith.constant 0 : index
    %swap3A_786 = tpu.vector_load %arg8[%swap3A_784, %swap3A_785] {strides = array<i32>} : memref<8x16xf32, #tpu.memory_space<vmem>>, vector<16xf32>,
    tpu.vector_store %arg8[%swap3A_784, %swap3A_785], %add3A_782 {strides = array<i32>} : memref<8x16xf32, #tpu.memory_space<vmem>>, vector<16xf32>,
    %get3A_787 = arith.constant 64 : index
    %get3A_788 = tpu.vector_load %arg7[%get3A_787] {strides = array<i32>} : memref<2064xf32, #tpu.memory_space<vmem>>, vector<16xf32>,
    %get3A_789 = arith.constant 193 : index
    %get3A_790 = tpu.vector_load %arg7[%get3A_789] {strides = array<i32>} : memref<2064xf32, #tpu.memory_space<vmem>>, vector<16xf32>,
    %add3A_791 = arith.addf %get3A_788, %get3A_790 : vector<16xf32>
    %get3A_792 = arith.constant 322 : index
    %get3A_793 = tpu.vector_load %arg7[%get3A_792] {strides = array<i32>} : memref<2064xf32, #tpu.memory_space<vmem>>, vector<16xf32>,
    %add3A_794 = arith.addf %add3A_791, %get3A_793 : vector<16xf32>
    %get3A_795 = arith.constant 451 : index
    %get3A_796 = tpu.vector_load %arg7[%get3A_795] {strides = array<i32>} : memref<2064xf32, #tpu.memory_space<vmem>>, vector<16xf32>,
    %add3A_797 = arith.addf %add3A_794, %get3A_796 : vector<16xf32>
    %get3A_798 = arith.constant 580 : index
    %get3A_799 = tpu.vector_load %arg7[%get3A_798] {strides = array<i32>} : memref<2064xf32, #tpu.memory_space<vmem>>, vector<16xf32>,
    %add3A_800 = arith.addf %add3A_797, %get3A_799 : vector<16xf32>
    %get3A_801 = arith.constant 709 : index
    %get3A_802 = tpu.vector_load %arg7[%get3A_801] {strides = array<i32>} : memref<2064xf32, #tpu.memory_space<vmem>>, vector<16xf32>,
    %add3A_803 = arith.addf %add3A_800, %get3A_802 : vector<16xf32>
    %get3A_804 = arith.constant 838 : index
    %get3A_805 = tpu.vector_load %arg7[%get3A_804] {strides = array<i32>} : memref<2064xf32, #tpu.memory_space<vmem>>, vector<16xf32>,
    %add3A_806 = arith.addf %add3A_803, %get3A_805 : vector<16xf32>
    %get3A_807 = arith.constant 967 : index
    %get3A_808 = tpu.vector_load %arg7[%get3A_807] {strides = array<i32>} : memref<2064xf32, #tpu.memory_space<vmem>>, vector<16xf32>,
    %add3A_809 = arith.addf %add3A_806, %get3A_808 : vector<16xf32>
    %get3A_810 = arith.constant 1096 : index
    %get3A_811 = tpu.vector_load %arg7[%get3A_810] {strides = array<i32>} : memref<2064xf32, #tpu.memory_space<vmem>>, vector<16xf32>,
    %add3A_812 = arith.addf %add3A_809, %get3A_811 : vector<16xf32>
    %get3A_813 = arith.constant 1225 : index
    %get3A_814 = tpu.vector_load %arg7[%get3A_813] {strides = array<i32>} : memref<2064xf32, #tpu.memory_space<vmem>>, vector<16xf32>,
    %add3A_815 = arith.addf %add3A_812, %get3A_814 : vector<16xf32>
    %get3A_816 = arith.constant 1354 : index
    %get3A_817 = tpu.vector_load %arg7[%get3A_816] {strides = array<i32>} : memref<2064xf32, #tpu.memory_space<vmem>>, vector<16xf32>,
    %add3A_818 = arith.addf %add3A_815, %get3A_817 : vector<16xf32>
    %get3A_819 = arith.constant 1483 : index
    %get3A_820 = tpu.vector_load %arg7[%get3A_819] {strides = array<i32>} : memref<2064xf32, #tpu.memory_space<vmem>>, vector<16xf32>,
    %add3A_821 = arith.addf %add3A_818, %get3A_820 : vector<16xf32>
    %get3A_822 = arith.constant 1612 : index
    %get3A_823 = tpu.vector_load %arg7[%get3A_822] {strides = array<i32>} : memref<2064xf32, #tpu.memory_space<vmem>>, vector<16xf32>,
    %add3A_824 = arith.addf %add3A_821, %get3A_823 : vector<16xf32>
    %get3A_825 = arith.constant 1741 : index
    %get3A_826 = tpu.vector_load %arg7[%get3A_825] {strides = array<i32>} : memref<2064xf32, #tpu.memory_space<vmem>>, vector<16xf32>,
    %add3A_827 = arith.addf %add3A_824, %get3A_826 : vector<16xf32>
    %get3A_828 = arith.constant 1870 : index
    %get3A_829 = tpu.vector_load %arg7[%get3A_828] {strides = array<i32>} : memref<2064xf32, #tpu.memory_space<vmem>>, vector<16xf32>,
    %add3A_830 = arith.addf %add3A_827, %get3A_829 : vector<16xf32>
    %get3A_831 = arith.constant 1999 : index
    %get3A_832 = tpu.vector_load %arg7[%get3A_831] {strides = array<i32>} : memref<2064xf32, #tpu.memory_space<vmem>>, vector<16xf32>,
    %add3A_833 = arith.addf %add3A_830, %get3A_832 : vector<16xf32>
    %swap3A_834 = arith.constant 4 : i32
    %swap3A_835 = arith.index_cast %swap3A_834 : i32 to index
    %swap3A_836 = arith.constant 0 : index
    %swap3A_837 = tpu.vector_load %arg8[%swap3A_835, %swap3A_836] {strides = array<i32>} : memref<8x16xf32, #tpu.memory_space<vmem>>, vector<16xf32>,
    tpu.vector_store %arg8[%swap3A_835, %swap3A_836], %add3A_833 {strides = array<i32>} : memref<8x16xf32, #tpu.memory_space<vmem>>, vector<16xf32>,
    %get3A_838 = arith.constant 80 : index
    %get3A_839 = tpu.vector_load %arg7[%get3A_838] {strides = array<i32>} : memref<2064xf32, #tpu.memory_space<vmem>>, vector<16xf32>,
    %get3A_840 = arith.constant 209 : index
    %get3A_841 = tpu.vector_load %arg7[%get3A_840] {strides = array<i32>} : memref<2064xf32, #tpu.memory_space<vmem>>, vector<16xf32>,
    %add3A_842 = arith.addf %get3A_839, %get3A_841 : vector<16xf32>
    %get3A_843 = arith.constant 338 : index
    %get3A_844 = tpu.vector_load %arg7[%get3A_843] {strides = array<i32>} : memref<2064xf32, #tpu.memory_space<vmem>>, vector<16xf32>,
    %add3A_845 = arith.addf %add3A_842, %get3A_844 : vector<16xf32>
    %get3A_846 = arith.constant 467 : index
    %get3A_847 = tpu.vector_load %arg7[%get3A_846] {strides = array<i32>} : memref<2064xf32, #tpu.memory_space<vmem>>, vector<16xf32>,
    %add3A_848 = arith.addf %add3A_845, %get3A_847 : vector<16xf32>
    %get3A_849 = arith.constant 596 : index
    %get3A_850 = tpu.vector_load %arg7[%get3A_849] {strides = array<i32>} : memref<2064xf32, #tpu.memory_space<vmem>>, vector<16xf32>,
    %add3A_851 = arith.addf %add3A_848, %get3A_850 : vector<16xf32>
    %get3A_852 = arith.constant 725 : index
    %get3A_853 = tpu.vector_load %arg7[%get3A_852] {strides = array<i32>} : memref<2064xf32, #tpu.memory_space<vmem>>, vector<16xf32>,
    %add3A_854 = arith.addf %add3A_851, %get3A_853 : vector<16xf32>
    %get3A_855 = arith.constant 854 : index
    %get3A_856 = tpu.vector_load %arg7[%get3A_855] {strides = array<i32>} : memref<2064xf32, #tpu.memory_space<vmem>>, vector<16xf32>,
    %add3A_857 = arith.addf %add3A_854, %get3A_856 : vector<16xf32>
    %get3A_858 = arith.constant 983 : index
    %get3A_859 = tpu.vector_load %arg7[%get3A_858] {strides = array<i32>} : memref<2064xf32, #tpu.memory_space<vmem>>, vector<16xf32>,
    %add3A_860 = arith.addf %add3A_857, %get3A_859 : vector<16xf32>
    %get3A_861 = arith.constant 1112 : index
    %get3A_862 = tpu.vector_load %arg7[%get3A_861] {strides = array<i32>} : memref<2064xf32, #tpu.memory_space<vmem>>, vector<16xf32>,
    %add3A_863 = arith.addf %add3A_860, %get3A_862 : vector<16xf32>
    %get3A_864 = arith.constant 1241 : index
    %get3A_865 = tpu.vector_load %arg7[%get3A_864] {strides = array<i32>} : memref<2064xf32, #tpu.memory_space<vmem>>, vector<16xf32>,
    %add3A_866 = arith.addf %add3A_863, %get3A_865 : vector<16xf32>
    %get3A_867 = arith.constant 1370 : index
    %get3A_868 = tpu.vector_load %arg7[%get3A_867] {strides = array<i32>} : memref<2064xf32, #tpu.memory_space<vmem>>, vector<16xf32>,
    %add3A_869 = arith.addf %add3A_866, %get3A_868 : vector<16xf32>
    %get3A_870 = arith.constant 1499 : index
    %get3A_871 = tpu.vector_load %arg7[%get3A_870] {strides = array<i32>} : memref<2064xf32, #tpu.memory_space<vmem>>, vector<16xf32>,
    %add3A_872 = arith.addf %add3A_869, %get3A_871 : vector<16xf32>
    %get3A_873 = arith.constant 1628 : index
    %get3A_874 = tpu.vector_load %arg7[%get3A_873] {strides = array<i32>} : memref<2064xf32, #tpu.memory_space<vmem>>, vector<16xf32>,
    %add3A_875 = arith.addf %add3A_872, %get3A_874 : vector<16xf32>
    %get3A_876 = arith.constant 1757 : index
    %get3A_877 = tpu.vector_load %arg7[%get3A_876] {strides = array<i32>} : memref<2064xf32, #tpu.memory_space<vmem>>, vector<16xf32>,
    %add3A_878 = arith.addf %add3A_875, %get3A_877 : vector<16xf32>
    %get3A_879 = arith.constant 1886 : index
    %get3A_880 = tpu.vector_load %arg7[%get3A_879] {strides = array<i32>} : memref<2064xf32, #tpu.memory_space<vmem>>, vector<16xf32>,
    %add3A_881 = arith.addf %add3A_878, %get3A_880 : vector<16xf32>
    %get3A_882 = arith.constant 2015 : index
    %get3A_883 = tpu.vector_load %arg7[%get3A_882] {strides = array<i32>} : memref<2064xf32, #tpu.memory_space<vmem>>, vector<16xf32>,
    %add3A_884 = arith.addf %add3A_881, %get3A_883 : vector<16xf32>
    %swap3A_885 = arith.constant 5 : i32
    %swap3A_886 = arith.index_cast %swap3A_885 : i32 to index
    %swap3A_887 = arith.constant 0 : index
    %swap3A_888 = tpu.vector_load %arg8[%swap3A_886, %swap3A_887] {strides = array<i32>} : memref<8x16xf32, #tpu.memory_space<vmem>>, vector<16xf32>,
    tpu.vector_store %arg8[%swap3A_886, %swap3A_887], %add3A_884 {strides = array<i32>} : memref<8x16xf32, #tpu.memory_space<vmem>>, vector<16xf32>,
    %get3A_889 = arith.constant 96 : index
    %get3A_890 = tpu.vector_load %arg7[%get3A_889] {strides = array<i32>} : memref<2064xf32, #tpu.memory_space<vmem>>, vector<16xf32>,
    %get3A_891 = arith.constant 225 : index
    %get3A_892 = tpu.vector_load %arg7[%get3A_891] {strides = array<i32>} : memref<2064xf32, #tpu.memory_space<vmem>>, vector<16xf32>,
    %add3A_893 = arith.addf %get3A_890, %get3A_892 : vector<16xf32>
    %get3A_894 = arith.constant 354 : index
    %get3A_895 = tpu.vector_load %arg7[%get3A_894] {strides = array<i32>} : memref<2064xf32, #tpu.memory_space<vmem>>, vector<16xf32>,
    %add3A_896 = arith.addf %add3A_893, %get3A_895 : vector<16xf32>
    %get3A_897 = arith.constant 483 : index
    %get3A_898 = tpu.vector_load %arg7[%get3A_897] {strides = array<i32>} : memref<2064xf32, #tpu.memory_space<vmem>>, vector<16xf32>,
    %add3A_899 = arith.addf %add3A_896, %get3A_898 : vector<16xf32>
    %get3A_900 = arith.constant 612 : index
    %get3A_901 = tpu.vector_load %arg7[%get3A_900] {strides = array<i32>} : memref<2064xf32, #tpu.memory_space<vmem>>, vector<16xf32>,
    %add3A_902 = arith.addf %add3A_899, %get3A_901 : vector<16xf32>
    %get3A_903 = arith.constant 741 : index
    %get3A_904 = tpu.vector_load %arg7[%get3A_903] {strides = array<i32>} : memref<2064xf32, #tpu.memory_space<vmem>>, vector<16xf32>,
    %add3A_905 = arith.addf %add3A_902, %get3A_904 : vector<16xf32>
    %get3A_906 = arith.constant 870 : index
    %get3A_907 = tpu.vector_load %arg7[%get3A_906] {strides = array<i32>} : memref<2064xf32, #tpu.memory_space<vmem>>, vector<16xf32>,
    %add3A_908 = arith.addf %add3A_905, %get3A_907 : vector<16xf32>
    %get3A_909 = arith.constant 999 : index
    %get3A_910 = tpu.vector_load %arg7[%get3A_909] {strides = array<i32>} : memref<2064xf32, #tpu.memory_space<vmem>>, vector<16xf32>,
    %add3A_911 = arith.addf %add3A_908, %get3A_910 : vector<16xf32>
    %get3A_912 = arith.constant 1128 : index
    %get3A_913 = tpu.vector_load %arg7[%get3A_912] {strides = array<i32>} : memref<2064xf32, #tpu.memory_space<vmem>>, vector<16xf32>,
    %add3A_914 = arith.addf %add3A_911, %get3A_913 : vector<16xf32>
    %get3A_915 = arith.constant 1257 : index
    %get3A_916 = tpu.vector_load %arg7[%get3A_915] {strides = array<i32>} : memref<2064xf32, #tpu.memory_space<vmem>>, vector<16xf32>,
    %add3A_917 = arith.addf %add3A_914, %get3A_916 : vector<16xf32>
    %get3A_918 = arith.constant 1386 : index
    %get3A_919 = tpu.vector_load %arg7[%get3A_918] {strides = array<i32>} : memref<2064xf32, #tpu.memory_space<vmem>>, vector<16xf32>,
    %add3A_920 = arith.addf %add3A_917, %get3A_919 : vector<16xf32>
    %get3A_921 = arith.constant 1515 : index
    %get3A_922 = tpu.vector_load %arg7[%get3A_921] {strides = array<i32>} : memref<2064xf32, #tpu.memory_space<vmem>>, vector<16xf32>,
    %add3A_923 = arith.addf %add3A_920, %get3A_922 : vector<16xf32>
    %get3A_924 = arith.constant 1644 : index
    %get3A_925 = tpu.vector_load %arg7[%get3A_924] {strides = array<i32>} : memref<2064xf32, #tpu.memory_space<vmem>>, vector<16xf32>,
    %add3A_926 = arith.addf %add3A_923, %get3A_925 : vector<16xf32>
    %get3A_927 = arith.constant 1773 : index
    %get3A_928 = tpu.vector_load %arg7[%get3A_927] {strides = array<i32>} : memref<2064xf32, #tpu.memory_space<vmem>>, vector<16xf32>,
    %add3A_929 = arith.addf %add3A_926, %get3A_928 : vector<16xf32>
    %get3A_930 = arith.constant 1902 : index
    %get3A_931 = tpu.vector_load %arg7[%get3A_930] {strides = array<i32>} : memref<2064xf32, #tpu.memory_space<vmem>>, vector<16xf32>,
    %add3A_932 = arith.addf %add3A_929, %get3A_931 : vector<16xf32>
    %get3A_933 = arith.constant 2031 : index
    %get3A_934 = tpu.vector_load %arg7[%get3A_933] {strides = array<i32>} : memref<2064xf32, #tpu.memory_space<vmem>>, vector<16xf32>,
    %add3A_935 = arith.addf %add3A_932, %get3A_934 : vector<16xf32>
    %swap3A_936 = arith.constant 6 : i32
    %swap3A_937 = arith.index_cast %swap3A_936 : i32 to index
    %swap3A_938 = arith.constant 0 : index
    %swap3A_939 = tpu.vector_load %arg8[%swap3A_937, %swap3A_938] {strides = array<i32>} : memref<8x16xf32, #tpu.memory_space<vmem>>, vector<16xf32>,
    tpu.vector_store %arg8[%swap3A_937, %swap3A_938], %add3A_935 {strides = array<i32>} : memref<8x16xf32, #tpu.memory_space<vmem>>, vector<16xf32>,
    %get3A_940 = arith.constant 112 : index
    %get3A_941 = tpu.vector_load %arg7[%get3A_940] {strides = array<i32>} : memref<2064xf32, #tpu.memory_space<vmem>>, vector<16xf32>,
    %get3A_942 = arith.constant 241 : index
    %get3A_943 = tpu.vector_load %arg7[%get3A_942] {strides = array<i32>} : memref<2064xf32, #tpu.memory_space<vmem>>, vector<16xf32>,
    %add3A_944 = arith.addf %get3A_941, %get3A_943 : vector<16xf32>
    %get3A_945 = arith.constant 370 : index
    %get3A_946 = tpu.vector_load %arg7[%get3A_945] {strides = array<i32>} : memref<2064xf32, #tpu.memory_space<vmem>>, vector<16xf32>,
    %add3A_947 = arith.addf %add3A_944, %get3A_946 : vector<16xf32>
    %get3A_948 = arith.constant 499 : index
    %get3A_949 = tpu.vector_load %arg7[%get3A_948] {strides = array<i32>} : memref<2064xf32, #tpu.memory_space<vmem>>, vector<16xf32>,
    %add3A_950 = arith.addf %add3A_947, %get3A_949 : vector<16xf32>
    %get3A_951 = arith.constant 628 : index
    %get3A_952 = tpu.vector_load %arg7[%get3A_951] {strides = array<i32>} : memref<2064xf32, #tpu.memory_space<vmem>>, vector<16xf32>,
    %add3A_953 = arith.addf %add3A_950, %get3A_952 : vector<16xf32>
    %get3A_954 = arith.constant 757 : index
    %get3A_955 = tpu.vector_load %arg7[%get3A_954] {strides = array<i32>} : memref<2064xf32, #tpu.memory_space<vmem>>, vector<16xf32>,
    %add3A_956 = arith.addf %add3A_953, %get3A_955 : vector<16xf32>
    %get3A_957 = arith.constant 886 : index
    %get3A_958 = tpu.vector_load %arg7[%get3A_957] {strides = array<i32>} : memref<2064xf32, #tpu.memory_space<vmem>>, vector<16xf32>,
    %add3A_959 = arith.addf %add3A_956, %get3A_958 : vector<16xf32>
    %get3A_960 = arith.constant 1015 : index
    %get3A_961 = tpu.vector_load %arg7[%get3A_960] {strides = array<i32>} : memref<2064xf32, #tpu.memory_space<vmem>>, vector<16xf32>,
    %add3A_962 = arith.addf %add3A_959, %get3A_961 : vector<16xf32>
    %get3A_963 = arith.constant 1144 : index
    %get3A_964 = tpu.vector_load %arg7[%get3A_963] {strides = array<i32>} : memref<2064xf32, #tpu.memory_space<vmem>>, vector<16xf32>,
    %add3A_965 = arith.addf %add3A_962, %get3A_964 : vector<16xf32>
    %get3A_966 = arith.constant 1273 : index
    %get3A_967 = tpu.vector_load %arg7[%get3A_966] {strides = array<i32>} : memref<2064xf32, #tpu.memory_space<vmem>>, vector<16xf32>,
    %add3A_968 = arith.addf %add3A_965, %get3A_967 : vector<16xf32>
    %get3A_969 = arith.constant 1402 : index
    %get3A_970 = tpu.vector_load %arg7[%get3A_969] {strides = array<i32>} : memref<2064xf32, #tpu.memory_space<vmem>>, vector<16xf32>,
    %add3A_971 = arith.addf %add3A_968, %get3A_970 : vector<16xf32>
    %get3A_972 = arith.constant 1531 : index
    %get3A_973 = tpu.vector_load %arg7[%get3A_972] {strides = array<i32>} : memref<2064xf32, #tpu.memory_space<vmem>>, vector<16xf32>,
    %add3A_974 = arith.addf %add3A_971, %get3A_973 : vector<16xf32>
    %get3A_975 = arith.constant 1660 : index
    %get3A_976 = tpu.vector_load %arg7[%get3A_975] {strides = array<i32>} : memref<2064xf32, #tpu.memory_space<vmem>>, vector<16xf32>,
    %add3A_977 = arith.addf %add3A_974, %get3A_976 : vector<16xf32>
    %get3A_978 = arith.constant 1789 : index
    %get3A_979 = tpu.vector_load %arg7[%get3A_978] {strides = array<i32>} : memref<2064xf32, #tpu.memory_space<vmem>>, vector<16xf32>,
    %add3A_980 = arith.addf %add3A_977, %get3A_979 : vector<16xf32>
    %get3A_981 = arith.constant 1918 : index
    %get3A_982 = tpu.vector_load %arg7[%get3A_981] {strides = array<i32>} : memref<2064xf32, #tpu.memory_space<vmem>>, vector<16xf32>,
    %add3A_983 = arith.addf %add3A_980, %get3A_982 : vector<16xf32>
    %get3A_984 = arith.constant 2047 : index
    %get3A_985 = tpu.vector_load %arg7[%get3A_984] {strides = array<i32>} : memref<2064xf32, #tpu.memory_space<vmem>>, vector<16xf32>,
    %add3A_986 = arith.addf %add3A_983, %get3A_985 : vector<16xf32>
    %swap3A_987 = arith.constant 7 : i32
    %swap3A_988 = arith.index_cast %swap3A_987 : i32 to index
    %swap3A_989 = arith.constant 0 : index
    %swap3A_990 = tpu.vector_load %arg8[%swap3A_988, %swap3A_989] {strides = array<i32>} : memref<8x16xf32, #tpu.memory_space<vmem>>, vector<16xf32>,
    tpu.vector_store %arg8[%swap3A_988, %swap3A_989], %add3A_986 {strides = array<i32>} : memref<8x16xf32, #tpu.memory_space<vmem>>, vector<16xf32>,
    "tpu.region"() ({
      %run_scoped3A = tpu.sem_alloc : memref<!tpu.dma_semaphore, #tpu.memory_space<semaphore_mem>>
      %dma_start3A_991 = arith.constant 0 : i32
      %dma_start3A_992 = arith.constant 0 : i32
      %dma_start3A_993 = tpu.memref_slice %arg4[%add3A, %dma_start3A_991, %dma_start3A_992] : memref<32x8x16xf32, #tpu.memory_space<hbm>> -> memref<1x8x16xf32, #tpu.memory_space<hbm>>
      %dma_start3A_994 = tpu.memref_squeeze %dma_start3A_993 : memref<1x8x16xf32, #tpu.memory_space<hbm>> -> memref<8x16xf32, #tpu.memory_space<hbm>>
      %dma_start3A_995 = arith.constant 0 : i32
      %dma_start3A_996 = arith.constant 0 : i32
      %dma_start3A_997 = tpu.memref_slice %arg4[%add3A, %dma_start3A_995, %dma_start3A_996] : memref<32x8x16xf32, #tpu.memory_space<hbm>> -> memref<1x8x16xf32, #tpu.memory_space<hbm>>
      %dma_start3A_998 = tpu.memref_squeeze %dma_start3A_997 : memref<1x8x16xf32, #tpu.memory_space<hbm>> -> memref<8x16xf32, #tpu.memory_space<hbm>>
      tpu.enqueue_dma source(%arg8 : memref<8x16xf32, #tpu.memory_space<vmem>>) target(%dma_start3A_998 : memref<8x16xf32, #tpu.memory_space<hbm>>) target_semaphore(%run_scoped3A : memref<!tpu.dma_semaphore, #tpu.memory_space<semaphore_mem>>)
      %dma_wait3A_999 = arith.constant 0 : i32
      %dma_wait3A_1000 = arith.constant 0 : i32
      %dma_wait3A_1001 = tpu.memref_slice %arg4[%add3A, %dma_wait3A_999, %dma_wait3A_1000] : memref<32x8x16xf32, #tpu.memory_space<hbm>> -> memref<1x8x16xf32, #tpu.memory_space<hbm>>
      %dma_wait3A_1002 = tpu.memref_squeeze %dma_wait3A_1001 : memref<1x8x16xf32, #tpu.memory_space<hbm>> -> memref<8x16xf32, #tpu.memory_space<hbm>>
      %dma_wait3A_1003 = arith.constant 0 : i32
      %dma_wait3A_1004 = arith.constant 0 : i32
      %dma_wait3A_1005 = tpu.memref_slice %arg4[%add3A, %dma_wait3A_1003, %dma_wait3A_1004] : memref<32x8x16xf32, #tpu.memory_space<hbm>> -> memref<1x8x16xf32, #tpu.memory_space<hbm>>
      %dma_wait3A_1006 = tpu.memref_squeeze %dma_wait3A_1005 : memref<1x8x16xf32, #tpu.memory_space<hbm>> -> memref<8x16xf32, #tpu.memory_space<hbm>>
      tpu.wait_dma2 semaphore(%run_scoped3A : memref<!tpu.dma_semaphore, #tpu.memory_space<semaphore_mem>>) src(%arg8 : memref<8x16xf32, #tpu.memory_space<vmem>>) dst(%dma_wait3A_1006 : memref<8x16xf32, #tpu.memory_space<hbm>>)
      tpu.yield
    }) : () -> ()
    return
  }
}

module attributes {stable_mosaic.version = 14 : i64} {
  func.func @_tc_sums_body(%arg0: i32, %arg1: memref<1x48x512xi32, #tpu.memory_space<vmem>>, %arg2: memref<1x16x48x512xf32, #tpu.memory_space<vmem>>, %arg3: memref<8x16xf32, #tpu.memory_space<vmem>>, %arg4: memref<8x16xf32, #tpu.memory_space<vmem>>) attributes {dimension_semantics = [#tpu.dimension_semantics<arbitrary>], iteration_bounds = array<i64: 10>, scalar_prefetch = 0 : i64, scratch_operands = 1 : i64, tpu.core_type = #tpu.core_type<tc>, window_params = [{transform_indices = @transform_0, window_bounds = array<i64: 1, 48, 512>}, {transform_indices = @transform_1, window_bounds = array<i64: 1, 16, 48, 512>}, {pipeline_mode = #tpu.pipeline_mode<synchronous>, transform_indices = @transform_2, window_bounds = array<i64: 8, 16>}]} {
    %get3A = arith.constant 0 : index
    %get3A_0 = arith.constant 0 : index
    %get3A_1 = arith.constant 0 : index
    %get3A_2 = arith.constant 0 : index
    %get3A_3 = vector.load %arg2[%get3A, %get3A_0, %get3A_1, %get3A_2] : memref<1x16x48x512xf32, #tpu.memory_space<vmem>>, vector<1x16x48x512xf32>
    %get3A_4 = vector.shape_cast %get3A_3 : vector<1x16x48x512xf32> to vector<16x48x512xf32>
    %get3A_5 = arith.constant 0 : index
    %get3A_6 = arith.constant 0 : index
    %get3A_7 = arith.constant 0 : index
    %get3A_8 = vector.load %arg1[%get3A_5, %get3A_6, %get3A_7] : memref<1x48x512xi32, #tpu.memory_space<vmem>>, vector<1x48x512xi32>
    %get3A_9 = vector.shape_cast %get3A_8 : vector<1x48x512xi32> to vector<48x512xi32>
    %iota3A = tpu.iota {dimensions = array<i32: 0>} : vector<8x48x512xi32>
    %broadcast_in_dim3A = vector.shape_cast %get3A_9 : vector<48x512xi32> to vector<1x48x512xi32>
    %eq3A = vector.broadcast %broadcast_in_dim3A : vector<1x48x512xi32> to vector<8x48x512xi32>
    %eq3A_10 = arith.cmpi eq, %iota3A, %eq3A : vector<8x48x512xi32>
    %convert_element_type3A = arith.extui %eq3A_10 : vector<8x48x512xi1> to vector<8x48x512xi32>
    %convert_element_type3A_11 = arith.sitofp %convert_element_type3A : vector<8x48x512xi32> to vector<8x48x512xf32>
    %reshape3A = vector.shape_cast %convert_element_type3A_11 : vector<8x48x512xf32> to vector<8x24576xf32>
    %reshape3A_12 = vector.shape_cast %get3A_4 : vector<16x48x512xf32> to vector<16x24576xf32>
    %eq3A_13 = arith.constant 0 : i32
    %eq3A_14 = arith.cmpi eq, %arg0, %eq3A_13 : i32
    %convert_element_type3A_15 = arith.extui %eq3A_14 : i1 to i32
    %cond3A = arith.constant 0 : i32
    %cond3A_16 = arith.cmpi ne, %convert_element_type3A_15, %cond3A : i32
    scf.if %cond3A_16 {
      %broadcast_in_dim3A_28 = arith.constant 0.000000e+00 : f32
      %broadcast_in_dim3A_29 = vector.broadcast %broadcast_in_dim3A_28 : f32 to vector<8x16xf32>
      %swap3A_30 = arith.constant 0 : index
      %swap3A_31 = arith.constant 0 : index
      %swap3A_32 = vector.load %arg4[%swap3A_30, %swap3A_31] : memref<8x16xf32, #tpu.memory_space<vmem>>, vector<8x16xf32>
      tpu.vector_store %arg4[%swap3A_30, %swap3A_31], %broadcast_in_dim3A_29 {strides = array<i32>} : memref<8x16xf32, #tpu.memory_space<vmem>>, vector<8x16xf32>,
    } else {
    }
    %get3A_17 = arith.constant 0 : index
    %get3A_18 = arith.constant 0 : index
    %get3A_19 = vector.load %arg4[%get3A_17, %get3A_18] : memref<8x16xf32, #tpu.memory_space<vmem>>, vector<8x16xf32>
    %dot_general3A = arith.constant dense<0.000000e+00> : vector<8x16xf32>
    %dot_general3A_20 = tpu.matmul %reshape3A, %reshape3A_12, %dot_general3A {dimension_numbers = #tpu.dot_dimension_numbers<[1], [1], [0], [0], [0, 0, 1, 0], [], []>, transpose_lhs_hint = false} : vector<8x24576xf32>, vector<16x24576xf32>, vector<8x16xf32> -> vector<8x16xf32>
    %add3A = arith.addf %get3A_19, %dot_general3A_20 : vector<8x16xf32>
    %swap3A = arith.constant 0 : index
    %swap3A_21 = arith.constant 0 : index
    %swap3A_22 = vector.load %arg4[%swap3A, %swap3A_21] : memref<8x16xf32, #tpu.memory_space<vmem>>, vector<8x16xf32>
    tpu.vector_store %arg4[%swap3A, %swap3A_21], %add3A {strides = array<i32>} : memref<8x16xf32, #tpu.memory_space<vmem>>, vector<8x16xf32>,
    %eq3A_23 = arith.constant 9 : i32
    %eq3A_24 = arith.cmpi eq, %arg0, %eq3A_23 : i32
    %convert_element_type3A_25 = arith.extui %eq3A_24 : i1 to i32
    %cond3A_26 = arith.constant 0 : i32
    %cond3A_27 = arith.cmpi ne, %convert_element_type3A_25, %cond3A_26 : i32
    scf.if %cond3A_27 {
      %get3A_28 = arith.constant 0 : index
      %get3A_29 = arith.constant 0 : index
      %get3A_30 = vector.load %arg4[%get3A_28, %get3A_29] : memref<8x16xf32, #tpu.memory_space<vmem>>, vector<8x16xf32>
      %swap3A_31 = arith.constant 0 : index
      %swap3A_32 = arith.constant 0 : index
      %swap3A_33 = vector.load %arg3[%swap3A_31, %swap3A_32] : memref<8x16xf32, #tpu.memory_space<vmem>>, vector<8x16xf32>
      tpu.vector_store %arg3[%swap3A_31, %swap3A_32], %get3A_30 {strides = array<i32>} : memref<8x16xf32, #tpu.memory_space<vmem>>, vector<8x16xf32>,
    } else {
    }
    return
  }
  func.func @transform_0(%arg0: i32) -> (i32, i32, i32) {
    %c3_i32 = arith.constant 3 : i32
    %c0_i32 = arith.constant 0 : i32
    %c0_i32_0 = arith.constant 0 : i32
    return %c3_i32, %arg0, %c0_i32 : i32, i32, i32
  }
  func.func @transform_1(%arg0: i32) -> (i32, i32, i32, i32) {
    %c3_i32 = arith.constant 3 : i32
    %c0_i32 = arith.constant 0 : i32
    %c0_i32_0 = arith.constant 0 : i32
    %c0_i32_1 = arith.constant 0 : i32
    return %c3_i32, %c0_i32, %arg0, %c0_i32_0 : i32, i32, i32, i32
  }
  func.func @transform_2(%arg0: i32) -> (i32, i32) {
    %c0_i32 = arith.constant 0 : i32
    %c0_i32_0 = arith.constant 0 : i32
    %c0_i32_1 = arith.constant 0 : i32
    return %c0_i32, %c0_i32_0 : i32, i32
  }
}

module attributes {stable_mosaic.version = 14 : i64} {
  func.func @_tc_body(%arg0: i32, %arg1: memref<32x8x16xf32, #tpu.memory_space<vmem>>, %arg2: memref<8x16xf32, #tpu.memory_space<vmem>>, %arg3: memref<1x64x512xi32, #tpu.memory_space<vmem>>, %arg4: memref<1x16x64x512xf32, #tpu.memory_space<vmem>>, %arg5: memref<1x1xf32, #tpu.memory_space<vmem>>, %arg6: memref<8x16xf32, #tpu.memory_space<vmem>>, %arg7: memref<1x1xf32, #tpu.memory_space<smem>>) attributes {dimension_semantics = [#tpu.dimension_semantics<arbitrary>], iteration_bounds = array<i64: 8>, scalar_prefetch = 0 : i64, scratch_operands = 2 : i64, tpu.core_type = #tpu.core_type<tc>, window_params = [{pipeline_mode = #tpu.pipeline_mode<synchronous>, transform_indices = @transform_0, window_bounds = array<i64: 32, 8, 16>}, {pipeline_mode = #tpu.pipeline_mode<synchronous>, transform_indices = @transform_1, window_bounds = array<i64: 8, 16>}, {transform_indices = @transform_2, window_bounds = array<i64: 1, 64, 512>}, {transform_indices = @transform_3, window_bounds = array<i64: 1, 16, 64, 512>}, {pipeline_mode = #tpu.pipeline_mode<synchronous>, transform_indices = @transform_4, window_bounds = array<i64: 1, 1>}]} {
    %get3A = arith.constant 0 : index
    %get3A_0 = arith.constant 0 : index
    %get3A_1 = arith.constant 0 : index
    %get3A_2 = arith.constant 0 : index
    %get3A_3 = vector.load %arg4[%get3A, %get3A_0, %get3A_1, %get3A_2] : memref<1x16x64x512xf32, #tpu.memory_space<vmem>>, vector<1x16x64x512xf32>
    %get3A_4 = vector.shape_cast %get3A_3 : vector<1x16x64x512xf32> to vector<16x64x512xf32>
    %get3A_5 = arith.constant 0 : index
    %get3A_6 = arith.constant 0 : index
    %get3A_7 = arith.constant 0 : index
    %get3A_8 = vector.load %arg3[%get3A_5, %get3A_6, %get3A_7] : memref<1x64x512xi32, #tpu.memory_space<vmem>>, vector<1x64x512xi32>
    %get3A_9 = vector.shape_cast %get3A_8 : vector<1x64x512xi32> to vector<64x512xi32>
    %iota3A = tpu.iota {dimensions = array<i32: 0>} : vector<8x64x512xi32>
    %broadcast_in_dim3A = vector.shape_cast %get3A_9 : vector<64x512xi32> to vector<1x64x512xi32>
    %eq3A = vector.broadcast %broadcast_in_dim3A : vector<1x64x512xi32> to vector<8x64x512xi32>
    %eq3A_10 = arith.cmpi eq, %iota3A, %eq3A : vector<8x64x512xi32>
    %convert_element_type3A = arith.extui %eq3A_10 : vector<8x64x512xi1> to vector<8x64x512xi32>
    %convert_element_type3A_11 = arith.sitofp %convert_element_type3A : vector<8x64x512xi32> to vector<8x64x512xf32>
    %reshape3A = vector.shape_cast %convert_element_type3A_11 : vector<8x64x512xf32> to vector<8x32768xf32>
    %reshape3A_12 = vector.shape_cast %get3A_4 : vector<16x64x512xf32> to vector<16x32768xf32>
    %eq3A_13 = arith.constant 0 : i32
    %eq3A_14 = arith.cmpi eq, %arg0, %eq3A_13 : i32
    %convert_element_type3A_15 = arith.extui %eq3A_14 : i1 to i32
    %cond3A = arith.constant 0 : i32
    %cond3A_16 = arith.cmpi ne, %convert_element_type3A_15, %cond3A : i32
    scf.if %cond3A_16 {
      %get3A_44 = arith.constant 0 : index
      %get3A_45 = arith.constant 0 : index
      %get3A_46 = arith.constant 0 : index
      %get3A_47 = vector.load %arg1[%get3A_44, %get3A_45, %get3A_46] : memref<32x8x16xf32, #tpu.memory_space<vmem>>, vector<32x8x16xf32>
      %reduce_sum3A_48 = arith.constant dense<0.000000e+00> : vector<8x16xf32>
      %reduce_sum3A_49 = vector.multi_reduction <add>, %get3A_47, %reduce_sum3A_48 [0] : vector<32x8x16xf32> to vector<8x16xf32>
      %get3A_50 = arith.constant 0 : index
      %get3A_51 = arith.constant 0 : index
      %get3A_52 = vector.load %arg2[%get3A_50, %get3A_51] : memref<8x16xf32, #tpu.memory_space<vmem>>, vector<8x16xf32>
      %add3A_53 = arith.addf %reduce_sum3A_49, %get3A_52 : vector<8x16xf32>
      %mul3A_54 = arith.constant 3.81469727E-6 : f32
      %mul3A_55 = vector.broadcast %mul3A_54 : f32 to vector<8x16xf32>
      %mul3A_56 = arith.mulf %add3A_53, %mul3A_55 : vector<8x16xf32>
      %swap3A_57 = arith.constant 0 : index
      %swap3A_58 = arith.constant 0 : index
      %swap3A_59 = vector.load %arg6[%swap3A_57, %swap3A_58] : memref<8x16xf32, #tpu.memory_space<vmem>>, vector<8x16xf32>
      tpu.vector_store %arg6[%swap3A_57, %swap3A_58], %mul3A_56 {strides = array<i32>} : memref<8x16xf32, #tpu.memory_space<vmem>>, vector<8x16xf32>,
      %dot_general3A_60 = arith.constant dense<0.000000e+00> : vector<8x8xf32>
      %dot_general3A_61 = tpu.matmul %mul3A_56, %mul3A_56, %dot_general3A_60 {dimension_numbers = #tpu.dot_dimension_numbers<[1], [1], [0], [0], [0, 0, 1, 0], [], []>, transpose_lhs_hint = false} : vector<8x16xf32>, vector<8x16xf32>, vector<8x8xf32> -> vector<8x8xf32>
      %iota3A_62 = tpu.iota {dimensions = array<i32: 0>} : vector<8x8xi32>
      %iota3A_63 = tpu.iota {dimensions = array<i32: 1>} : vector<8x8xi32>
      %eq3A_64 = arith.cmpi eq, %iota3A_62, %iota3A_63 : vector<8x8xi32>
      %convert_element_type3A_65 = arith.extui %eq3A_64 : vector<8x8xi1> to vector<8x8xi32>
      %convert_element_type3A_66 = arith.sitofp %convert_element_type3A_65 : vector<8x8xi32> to vector<8x8xf32>
      %mul3A_67 = arith.mulf %dot_general3A_61, %convert_element_type3A_66 : vector<8x8xf32>
      %reduce_sum3A_68 = arith.constant dense<0.000000e+00> : vector<8xf32>
      %reduce_sum3A_69 = vector.multi_reduction <add>, %mul3A_67, %reduce_sum3A_68 [1] : vector<8x8xf32> to vector<8xf32>
      %broadcast_in_dim3A_70 = vector.shape_cast %reduce_sum3A_69 : vector<8xf32> to vector<8x1xf32>
      %mul3A_71 = arith.mulf %dot_general3A_61, %convert_element_type3A_66 : vector<8x8xf32>
      %reduce_sum3A_72 = arith.constant dense<0.000000e+00> : vector<8xf32>
      %reduce_sum3A_73 = vector.multi_reduction <add>, %mul3A_71, %reduce_sum3A_72 [0] : vector<8x8xf32> to vector<8xf32>
      %broadcast_in_dim3A_74 = vector.shape_cast %reduce_sum3A_73 : vector<8xf32> to vector<1x8xf32>
      %add3A_75 = vector.broadcast %broadcast_in_dim3A_70 : vector<8x1xf32> to vector<8x8xf32>
      %add3A_76 = vector.broadcast %broadcast_in_dim3A_74 : vector<1x8xf32> to vector<8x8xf32>
      %add3A_77 = arith.addf %add3A_75, %add3A_76 : vector<8x8xf32>
      %mul3A_78 = arith.constant 2.000000e+00 : f32
      %mul3A_79 = vector.broadcast %mul3A_78 : f32 to vector<8x8xf32>
      %mul3A_80 = arith.mulf %mul3A_79, %dot_general3A_61 : vector<8x8xf32>
      %sub3A_81 = arith.subf %add3A_77, %mul3A_80 : vector<8x8xf32>
      %max3A_82 = arith.constant 0.000000e+00 : f32
      %max3A_83 = vector.broadcast %max3A_82 : f32 to vector<8x8xf32>
      %max3A_84 = arith.maximumf %sub3A_81, %max3A_83 : vector<8x8xf32>
      %sqrt3A_85 = math.sqrt %max3A_84 : vector<8x8xf32>
      %sub3A_86 = arith.constant 2.000000e+00 : f32
      %sub3A_87 = vector.broadcast %sub3A_86 : f32 to vector<8x8xf32>
      %sub3A_88 = arith.subf %sub3A_87, %sqrt3A_85 : vector<8x8xf32>
      %max3A_89 = arith.constant 0.000000e+00 : f32
      %max3A_90 = vector.broadcast %max3A_89 : f32 to vector<8x8xf32>
      %max3A_91 = arith.maximumf %sub3A_88, %max3A_90 : vector<8x8xf32>
      %integer_pow3A_92 = arith.mulf %max3A_91, %max3A_91 : vector<8x8xf32>
      %reduce_sum3A_93 = vector.shape_cast %integer_pow3A_92 : vector<8x8xf32> to vector<1x8x8xf32>
      %reduce_sum3A_94 = arith.constant dense<0.000000e+00> : vector<1xf32>
      %reduce_sum3A_95 = vector.multi_reduction <add>, %reduce_sum3A_93, %reduce_sum3A_94 [1, 2] : vector<1x8x8xf32> to vector<1xf32>
      %reduce_sum3A_96 = vector.shape_cast %reduce_sum3A_95 : vector<1xf32> to vector<1x1x1xf32>
      %reduce_sum3A_97 = vector.extract %reduce_sum3A_96[0, 0, 0] : f32 from vector<1x1x1xf32>
      %div3A_98 = arith.constant 7.000000e+00 : f32
      %div3A_99 = arith.divf %reduce_sum3A_97, %div3A_98 : f32
      %div3A_100 = arith.constant 2.000000e+00 : f32
      %div3A_101 = arith.divf %div3A_99, %div3A_100 : f32
      %swap3A_102 = arith.constant 0 : index
      %swap3A_103 = arith.constant 0 : index
      %swap3A_104 = memref.load %arg7[%swap3A_102, %swap3A_103] : memref<1x1xf32, #tpu.memory_space<smem>>
      memref.store %div3A_101, %arg7[%swap3A_102, %swap3A_103] : memref<1x1xf32, #tpu.memory_space<smem>>
    } else {
    }
    %get3A_17 = arith.constant 0 : index
    %get3A_18 = arith.constant 0 : index
    %get3A_19 = vector.load %arg6[%get3A_17, %get3A_18] : memref<8x16xf32, #tpu.memory_space<vmem>>, vector<8x16xf32>
    %dot_general3A = arith.constant dense<0.000000e+00> : vector<16x32768xf32>
    %dot_general3A_20 = tpu.matmul %get3A_19, %reshape3A, %dot_general3A {dimension_numbers = #tpu.dot_dimension_numbers<[0], [0], [1], [1], [0, 1, 1, 1], [], []>, transpose_lhs_hint = false} : vector<8x16xf32>, vector<8x32768xf32>, vector<16x32768xf32> -> vector<16x32768xf32>
    %sub3A = arith.subf %reshape3A_12, %dot_general3A_20 : vector<16x32768xf32>
    %mul3A = arith.mulf %sub3A, %sub3A : vector<16x32768xf32>
    %reduce_sum3A = arith.constant dense<0.000000e+00> : vector<32768xf32>
    %reduce_sum3A_21 = vector.multi_reduction <add>, %mul3A, %reduce_sum3A [0] : vector<16x32768xf32> to vector<32768xf32>
    %broadcast_in_dim3A_22 = vector.shape_cast %reduce_sum3A_21 : vector<32768xf32> to vector<1x32768xf32>
    %sqrt3A = math.sqrt %broadcast_in_dim3A_22 : vector<1x32768xf32>
    %sub3A_23 = arith.constant 1.000000e+00 : f32
    %sub3A_24 = vector.broadcast %sub3A_23 : f32 to vector<1x32768xf32>
    %sub3A_25 = arith.subf %sqrt3A, %sub3A_24 : vector<1x32768xf32>
    %max3A = arith.constant 0.000000e+00 : f32
    %max3A_26 = vector.broadcast %max3A : f32 to vector<1x32768xf32>
    %max3A_27 = arith.maximumf %sub3A_25, %max3A_26 : vector<1x32768xf32>
    %integer_pow3A = arith.mulf %max3A_27, %max3A_27 : vector<1x32768xf32>
    %get3A_28 = arith.constant 0 : index
    %get3A_29 = arith.constant 0 : index
    %get3A_30 = memref.load %arg7[%get3A_28, %get3A_29] : memref<1x1xf32, #tpu.memory_space<smem>>
    %reduce_sum3A_31 = vector.shape_cast %integer_pow3A : vector<1x32768xf32> to vector<1x1x32768xf32>
    %reduce_sum3A_32 = arith.constant dense<0.000000e+00> : vector<1xf32>
    %reduce_sum3A_33 = vector.multi_reduction <add>, %reduce_sum3A_31, %reduce_sum3A_32 [1, 2] : vector<1x1x32768xf32> to vector<1xf32>
    %reduce_sum3A_34 = vector.shape_cast %reduce_sum3A_33 : vector<1xf32> to vector<1x1x1xf32>
    %reduce_sum3A_35 = vector.extract %reduce_sum3A_34[0, 0, 0] : f32 from vector<1x1x1xf32>
    %div3A = arith.constant 2.621440e+05 : f32
    %div3A_36 = arith.divf %reduce_sum3A_35, %div3A : f32
    %add3A = arith.addf %get3A_30, %div3A_36 : f32
    %swap3A = arith.constant 0 : index
    %swap3A_37 = arith.constant 0 : index
    %swap3A_38 = memref.load %arg7[%swap3A, %swap3A_37] : memref<1x1xf32, #tpu.memory_space<smem>>
    memref.store %add3A, %arg7[%swap3A, %swap3A_37] : memref<1x1xf32, #tpu.memory_space<smem>>
    %eq3A_39 = arith.constant 7 : i32
    %eq3A_40 = arith.cmpi eq, %arg0, %eq3A_39 : i32
    %convert_element_type3A_41 = arith.extui %eq3A_40 : i1 to i32
    %cond3A_42 = arith.constant 0 : i32
    %cond3A_43 = arith.cmpi ne, %convert_element_type3A_41, %cond3A_42 : i32
    scf.if %cond3A_43 {
      %get3A_44 = arith.constant 0 : index
      %get3A_45 = arith.constant 0 : index
      %get3A_46 = memref.load %arg7[%get3A_44, %get3A_45] : memref<1x1xf32, #tpu.memory_space<smem>>
      %broadcast_in_dim3A_47 = vector.broadcast %get3A_46 : f32 to vector<1x1xf32>
      %swap3A_48 = arith.constant 0 : index
      %swap3A_49 = arith.constant 0 : index
      %swap3A_50 = vector.load %arg5[%swap3A_48, %swap3A_49] : memref<1x1xf32, #tpu.memory_space<vmem>>, vector<1x1xf32>
      tpu.vector_store %arg5[%swap3A_48, %swap3A_49], %broadcast_in_dim3A_47 {strides = array<i32>} : memref<1x1xf32, #tpu.memory_space<vmem>>, vector<1x1xf32>,
    } else {
    }
    return
  }
  func.func @transform_0(%arg0: i32) -> (i32, i32, i32) {
    %c0_i32 = arith.constant 0 : i32
    %c0_i32_0 = arith.constant 0 : i32
    %c0_i32_1 = arith.constant 0 : i32
    %c0_i32_2 = arith.constant 0 : i32
    return %c0_i32, %c0_i32_0, %c0_i32_1 : i32, i32, i32
  }
  func.func @transform_1(%arg0: i32) -> (i32, i32) {
    %c0_i32 = arith.constant 0 : i32
    %c0_i32_0 = arith.constant 0 : i32
    %c0_i32_1 = arith.constant 0 : i32
    return %c0_i32, %c0_i32_0 : i32, i32
  }
  func.func @transform_2(%arg0: i32) -> (i32, i32, i32) {
    %c3_i32 = arith.constant 3 : i32
    %c0_i32 = arith.constant 0 : i32
    %c0_i32_0 = arith.constant 0 : i32
    return %c3_i32, %arg0, %c0_i32 : i32, i32, i32
  }
  func.func @transform_3(%arg0: i32) -> (i32, i32, i32, i32) {
    %c3_i32 = arith.constant 3 : i32
    %c0_i32 = arith.constant 0 : i32
    %c0_i32_0 = arith.constant 0 : i32
    %c0_i32_1 = arith.constant 0 : i32
    return %c3_i32, %c0_i32, %arg0, %c0_i32_0 : i32, i32, i32, i32
  }
  func.func @transform_4(%arg0: i32) -> (i32, i32) {
    %c0_i32 = arith.constant 0 : i32
    %c0_i32_0 = arith.constant 0 : i32
    %c0_i32_1 = arith.constant 0 : i32
    return %c0_i32, %c0_i32_0 : i32, i32
  }
}

</mosaic_0001>

<sc_bundles>
// kernel: kernel.5.cloned.1.call-start
scs
__scs_entry_jumppad:
0x0: {  	(pc) =	sbr.rel $0x88, $3  }
0x1: {  	(tag) =	ssettag $0x0;
	lr =	simm.s32 $0x1  }
0x2: {  	[smem:$0x3F9F] =	sst lr;
	_ =	strace $0xD0000000  }
0x3: {  	_ = 	snop  }
0x4: {  	_ = 	snop  }
0x5: {  	_ = 	snop  }
0x6: {  	_ = 	snop  }
0x7: {  	_ = 	snop  }
__scs_overlays_trampoline_lowered:
0x8: {  	[smem:$0x3FAE] =	sst s0  }
0x9: {  	[smem:$0x3FAF] =	sst s1  }
0xa: {  	[smem:$0x3FB0] =	sst s2  }
0xb: {  	[smem:$0x3FB1] =	sst s3  }
0xc: {  	[smem:$0x3FB2] =	sst s4  }
0xd: {  	[smem:$0x3FB3] =	sst s5  }
0xe: {  	[smem:$0x3FB4] =	sst s6  }
0xf: {  	[smem:$0x3FB5] =	sst s7  }
0x10: {  	[smem:$0x3FB6] =	sst s8  }
0x11: {  	[smem:$0x3FB7] =	sst s9;
	s0 =	simm.s32 @!p0 $0x0  }
0x12: {  	s1 =	sld [smem:$0x3F9D];
	s0 =	simm.s32 @p0 $0x1  }
0x13: {  	[smem:$0x3FB8] =	sst s0;
	s0 =	simm.s32 @!p1 $0x0  }
0x14: {  	s2 =	sld [smem:$0x3F9C];
	s0 =	simm.s32 @p1 $0x1  }
0x15: {  	[smem:$0x3FB9] =	sst s0;
	s0 =	simm.s32 @!p2 $0x0  }
0x16: {  	s3 =	sld [smem:$0x3FDB];
	s0 =	simm.s32 @p2 $0x1  }
0x17: {  	s4 =	simm.s32 $0x1BF5;
	[smem:$0x3FBB] =	sst s0  }
0x18: {  	s0 =	sld [smem:$0x3F9E];
	_ =	swait.ge [sflag:s4], $0x0  }
0x19: {  	s7 =	sld [smem:$0x3F9F]  }
0x1a: {  	s8 =	sadd.s32 $0xFFFFE003, lr  }
0x1b: {  	s9 =	sadd.s32 $0xFFFFFEF7, lr;
	s5 =	simm.s32 $0xFFFFFFFF;
	p2 =	slt.u32 s8, $0xFFFFF086  }
0x1c: {  	p1 =	slt.u32 s9, $0xF7A;
	s5 =	simm.s32 @!p2 $0x0  }
0x1d: {  	s5 =	simm.s32 @p1 $0x1;
	p0 =	seq.s32 s7, s2  }
0x1e: {  	s7 =	smul.u32 @!p0 $0xF7A, s2;
	p2 =	seq.s32 @!p0 s5, $0x0  }
0x1f: {  	s9 =	smul.u32 $0xF7A, s1;
	s8 =	simm.s32 @!p0 $0x1BF5;
	p2 =	por !p2, p0  }
0x20: {  	[sflag:s8] =	ssyncset.s32 @!p0 $0xFFFFF086;
	s6 =	sadd.s32 @!p0 s3, s7;
	s7 =	simm.s32 @!p0 $0x108  }
0x21: {  	s3 =	sadd.s32 s3, s9;
	s6 =	sadd.s32 @!p0 $0x88, s6;
	s7 =	simm.s32 @p2 $0x1082  }
0x22: {  	[simem:s7], [sflag:s8] =	dma.local @!p0 [hbm:s6], $0xF7A  }
0x23: {  	s9 =	sor.u32 $0xD0000000, s2;
	s6 =	simm.s32 $0x108;
	_ =	swait.ge @!p0 [sflag:s8], $0x0  }
0x24: {  	s3 =	sadd.s32 $0x88, s3;
	s6 =	simm.s32 @!p1 $0x1082;
	[sflag:s4] =	ssyncset.s32 $0xFFFFF086  }
0x25: {  	[simem:s6], [sflag:s4] =	dma.local [hbm:s3], $0xF7A  }
0x26: {  	[smem:$0x3F9F] =	sst s1;
	(tag) =	ssettag s2;
	_ =	strace s9  }
0x27: {  	s1 =	sld [smem:$0x3FAF]  }
0x28: {  	s2 =	sld [smem:$0x3FB0]  }
0x29: {  	s4 =	sld [smem:$0x3FB2]  }
0x2a: {  	p0 =	seq.s32 s5, $0x0;
	s5 =	sld [smem:$0x3FB3]  }
0x2b: {  	s6 =	sld [smem:$0x3FB4]  }
0x2c: {  	s7 =	sld [smem:$0x3FB5]  }
0x2d: {  	s3 =	simm.s32 $0x108;
	s8 =	sld [smem:$0x3FB6]  }
0x2e: {  	s3 =	simm.s32 @!p0 $0x1082;
	s9 =	sld [smem:$0x3FB7]  }
0x2f: {  	lr =	sadd.s32 s0, s3;
	s0 =	sld [smem:$0x3FAE]  }
0x30: {  	s3 =	sld [smem:$0x3FB1]  }
0x31: {  	[smem:$0x3FBA] =	sst s10  }
0x32: {  	s10 =	sld [smem:$0x3FB8];
	_ =	sdelay $0x3  }
0x33: {  	p0 =	seq.s32 s10, $0x1;
	s10 =	sld [smem:$0x3FBA];
	_ =	sdelay $0x3  }
0x34: {  	[smem:$0x3FBA] =	sst s10  }
0x35: {  	s10 =	sld [smem:$0x3FB9];
	_ =	sdelay $0x3  }
0x36: {  	p1 =	seq.s32 s10, $0x1;
	s10 =	sld [smem:$0x3FBA];
	_ =	sdelay $0x3  }
0x37: {  	[smem:$0x3FBA] =	sst s10  }
0x38: {  	s10 =	sld [smem:$0x3FBB]  }
0x39: {  	_ = 	snop;
	(pc) =	sbr.ind lr, $3  }
0x3a: {  	_ = 	snop  }
0x3b: {  	_ = 	snop  }
0x3c: {  	p2 =	seq.s32 s10, $0x1;
	s10 =	sld [smem:$0x3FBA]  }
0x3d: {  	_ =	shalt  }
0x3e: {  	_ =	shalt  }
0x3f: {  	_ =	shalt  }
0x40: {  	_ =	shalt  }
0x41: {  	_ =	shalt  }
0x42: {  	_ =	shalt  }
0x43: {  	_ =	shalt  }
0x44: {  	_ =	shalt  }
0x45: {  	_ =	shalt  }
0x46: {  	_ =	shalt  }
0x47: {  	_ =	shalt  }
0x48: {  	_ =	shalt  }
0x49: {  	_ =	shalt  }
0x4a: {  	_ =	shalt  }
0x4b: {  	_ =	shalt  }
0x4c: {  	_ =	shalt  }
0x4d: {  	_ =	shalt  }
0x4e: {  	_ =	shalt  }
0x4f: {  	_ =	shalt  }
0x50: {  	_ =	shalt  }
0x51: {  	_ =	shalt  }
0x52: {  	_ =	shalt  }
0x53: {  	_ =	shalt  }
0x54: {  	_ =	shalt  }
0x55: {  	_ =	shalt  }
0x56: {  	_ =	shalt  }
0x57: {  	_ =	shalt  }
0x58: {  	_ =	shalt  }
0x59: {  	_ =	shalt  }
0x5a: {  	_ =	shalt  }
0x5b: {  	_ =	shalt  }
0x5c: {  	_ =	shalt  }
0x5d: {  	_ =	shalt  }
0x5e: {  	_ =	shalt  }
0x5f: {  	_ =	shalt  }
0x60: {  	_ =	shalt  }
0x61: {  	_ =	shalt  }
0x62: {  	_ =	shalt  }
0x63: {  	_ =	shalt  }
0x64: {  	_ =	shalt  }
0x65: {  	_ =	shalt  }
0x66: {  	_ =	shalt  }
0x67: {  	_ =	shalt  }
0x68: {  	_ =	shalt  }
0x69: {  	_ =	shalt  }
0x6a: {  	_ =	shalt  }
0x6b: {  	_ =	shalt  }
0x6c: {  	_ =	shalt  }
0x6d: {  	_ =	shalt  }
0x6e: {  	_ =	shalt  }
0x6f: {  	_ =	shalt  }
0x70: {  	_ =	shalt  }
0x71: {  	_ =	shalt  }
0x72: {  	_ =	shalt  }
0x73: {  	_ =	shalt  }
0x74: {  	_ =	shalt  }
0x75: {  	_ =	shalt  }
0x76: {  	_ =	shalt  }
0x77: {  	_ =	shalt  }
0x78: {  	_ =	shalt  }
0x79: {  	_ =	shalt  }
0x7a: {  	_ =	shalt  }
0x7b: {  	_ =	shalt  }
0x7c: {  	_ =	shalt  }
0x7d: {  	_ =	shalt  }
0x7e: {  	_ =	shalt  }
0x7f: {  	_ =	shalt  }
0x80: {  	_ =	shalt  }
0x81: {  	_ =	shalt  }
0x82: {  	_ =	shalt  }
0x83: {  	_ =	shalt  }
0x84: {  	_ =	shalt  }
0x85: {  	_ =	shalt  }
0x86: {  	_ =	shalt  }
0x87: {  	_ =	shalt  }
.Lfunc_end0:
.L_simem_size_0:
called_computation_lowered:
.L_overlay_start_0:
0x88: {  	s2 =	sld [smem:$0x3FD9]  }
0x89: {  	s3 =	sld [smem:$0x3FFE];
	_ =	sdelay $0x1  }
0x8a: {  	s1 =	srdreg.scid  }
0x8b: {  	s0 =	sand.u32 $0x1, s1  }
0x8c: {  	s17 =	sshll.u32 s0, $0xA;
	s2 =	sadd.s32 s3, s2  }
0x8d: {  	s2 =	sadd.s32 s2, s17  }
0x8e: {  	[smem:$0x3FC6] =	sst s2  }
0x8f: {  	_ = 	snop  }
0x90: {  	s2 =	sld [smem:$0x3FC9]  }
0x91: {  	s18 =	sld [smem:$0x3FC8];
	(tm) =	ssettm $0x1  }
0x92: {  	s4 =	sld [smem:$0x3FFB];
	_ =	sdelay $0x3  }
0x93: {  	_ =	strace s4  }
0x94: {  	s4 =	sld [smem:$0x3FFC];
	_ =	sdelay $0x3  }
0x95: {  	_ =	strace s4  }
0x96: {  	s4 =	sld [smem:$0x3FFD];
	_ =	sdelay $0x3  }
0x97: {  	_ =	strace s4  }
0x98: {  	_ =	strace $0x8FFFFFFF  }
0x99: {  	s19 =	sld [smem:$0x3FDB];
	_ =	sdelay $0x1  }
0x9a: {  	s5 =	simm.s32 $_scs_section_size  }
0x9b: {  	s6 =	simm.s32 $_size__tile_overlayer_lowered;
	s7 =	simm.s32 $_tile_overlayer_lowered  }
0x9c: {  	s22 =	simm.s32 $0x1BFF;
	s21 =	sshll.u32 s7, $0x1;
	s4 =	sadd.s32 s5, s19  }
0x9d: {  	s8 =	simm.s32 $0x0;
	s20 =	sshll.u32 s6, $0x1;
	s6 =	sadd.s32 s21, s4  }
0x9e: {  	[timem:s8], [sflag:s22] =	dma.local [hbm:s6], s20  }
0x9f: {  	_ =	swait.ge [sflag:s22], s20  }
0xa0: {  	s5 =	ssub.s32 $0x0, s20;
	[sflag:s22] =	ssyncset.done $0x0  }
0xa1: {  	[sflag:s22] =	ssyncadd.s32 s5;
	_ =	sdelay $0x1  }
0xa2: {  	s23 =	simm.s32 $0x1B8B  }
0xa3: {  	_ =	swait.ge [sflag:s23], $0x1  }
0xa4: {  	[sflag:s23] =	ssyncset.done $0x0  }
0xa5: {  	s25 =	simm.s32 $0x1B8E;
	s24 =	sld [smem:$0x3FFE];
	[sflag:s23] =	ssyncadd.s32 $0xFFFFFFFF  }
0xa6: {  	s26 =	simm.s32 $execute0_lowered;
	[smem:$0x3FD2] =	sst s25  }
0xa7: {  	s6 =	sshll.u32 s26, $0x1;
	_ =	strace $0x80000046;
	[dreg:$0x1] =	wrdreg $0xFFFFFFFF  }
0xa8: {  	s28 =	simm.s32 $_size_execute0_lowered;
	s4 =	sadd.s32 s4, s6;
	[dreg:$0x0] =	wrdreg $0x0  }
0xa9: {  	s6 =	sshll.u32 s28, $0x1;
	[dreg:$0x2] =	wrdreg s4  }
0xaa: {  	[dreg:$0x3] =	wrdreg s6  }
0xab: {  	[dreg:$0x4] =	wrdreg $0xC0  }
0xac: {  	_ =	task [dreg:s8], $0x5FFFF  }
0xad: {  	[dreg:$0x1] =	wrdreg $0xFFFFFFFF  }
0xae: {  	[dreg:$0x0] =	wrdreg $0x60  }
0xaf: {  	[dreg:$0x2] =	wrdreg s2  }
0xb0: {  	[dreg:$0x3] =	wrdreg s18  }
0xb1: {  	[dreg:$0x4] =	wrdreg s24  }
0xb2: {  	[dreg:$0x5] =	wrdreg $0x9  }
0xb3: {  	_ =	task.clear_ibuf [dreg:s8], $0x6FFFF;
	_ =	strace $0x90000046  }
0xb4: {  	s29 =	simm.s32 $0x9;
	_ =	strace $0x80000048  }
0xb5: {  	_ =	swait.ge [sflag:s29], $0x1  }
0xb6: {  	[sflag:s29] =	ssyncadd.s32 $0xFFFFFFFF  }
0xb7: {  	_ =	strace $0x90000048  }
0xb8: {  	_ =	sfence  }
0xb9: {  	s30 =	sld [smem:$0x0];
	_ =	sdelay $0x2  }
0xba: {  	s31 =	sshll.u32 s1, $0xD;
	s1 =	sshrl.u32 s1, $0x2  }
0xbb: {  	s3 =	sand.u32 $0x4000, s31;
	s1 =	sadd.s32 s1, s30  }
0xbc: {  	s0 =	sor.u32 s3, s0;
	s1 =	sshll.u32 s1, $0x11  }
0xbd: {  	s0 =	sor.u32 s1, s0  }
0xbe: {  	s0 =	sadd.s32 $0x8F2B, s0  }
0xbf: {  	[sflag:s0] =	ssyncadd.remote.s32 $0x1  }
0xc0: {  	_ =	sfence.sel $0xFFFF  }
0xc1: {  	[dreg:$0x0] =	wrdreg $0xFFFFFFFF;
	(pc) =	sbr.abs _section_cstart, $3  }
0xc2: {  	[dreg:$0x1] =	wrdreg $0xFFFFFFFF  }
0xc3: {  	_ =	task.clear_ibuf [dreg:s8], $0x2FFFF;
	_ =	strace $0x9FFFFFFF  }
0xc4: {  	(tm) =	ssettm $0x7FFFFFFF  }
0xc5: {  	_ =	shalt  }
tec
execute0_lowered:
.L_overlay_start_1:
0x0: {  	(tag) =	ssettag $0x1  }
0x1: {  	s0 =	srdreg.scid  }
0x2: {  	s5 =	stileid.u32;
	s0 =	sand.u32 $0x1, s0  }
0x3: {  	s1 =	rddreg [dreg:$0x0];
	s2 =	sshll.u32 s5, $0x8;
	s3 =	sshll.u32 s0, $0x7  }
0x4: {  	s4 =	rddreg [dreg:$0x1];
	s28 =	sshll.u32 s5, $0xA;
	s3 =	sor.u32 s3, s2  }
0x5: {  	s29 =	rddreg [dreg:$0x2];
	s22 =	simm.s32 $0x80;
	s6 =	sor.u32 s28, s3  }
0x6: {  	s23 =	simm.s32 $0x400;
	s2 =	simm.s32 $0x0;
	s6 =	sand.u32 $0x3380, s6  }
0x7: {  	s30 =	simm.s32 $0x1;
	[smem:$0x7FF] =	sst s2;
	s6 =	sshrl.u32 s6, $0x3  }
0x8: {  	s5 =	sadd.s32 s3, s29;
	_ =	strace $0x80000047;
	s1 =	sadd.s32 s6, s1  }
0x9: {  	s31 =	simm.s32 $0x2;
	s5 =	sadd.s32 $0x800, s5;
	s3 =	sadd.s32 $0x187800, s1  }
0xa: {  	v0 =	vlaneseq.u32;
	s4 =	sadd.s32 s6, s4;
	s6 =	sadd.s32 $0x18F800, s1;
	s7 =	sadd.s32 $0x197800, s1  }
0xb: {  	s24 =	simm.s32 $0x3;
	v0 =	vmul.u32 $0x81, v0;
	s8 =	sadd.s32 $0x19F800, s1;
	s9 =	sadd.s32 $0x1A7800, s1  }
0xc: {  	v1 =	vimm.f32 $0.0e+00;
	s0 =	ssub.s32 $0x2, s0;
	s10 =	sadd.s32 $0x1AF800, s1;
	s11 =	sadd.s32 $0x1B7800, s1  }
0xd: {  	s15 =	sshrl.u32 s0, $0x1;
	v2 =	vadd.s32 $0x1, v0;
	v3 =	vadd.s32 $0x2, v0;
	v4 =	vadd.s32 $0x3, v0;
	s12 =	sadd.s32 $0x1BF800, s1;
	s13 =	sadd.s32 $0x1C7800, s1  }
0xe: {  	v5 =	vadd.s32 $0x4, v0;
	v6 =	vadd.s32 $0x5, v0;
	v10 =	vadd.s32 $0x9, v0;
	s0 =	ssub.s32 s0, s15;
	s14 =	sadd.s32 $0x1CF800, s1;
	s15 =	sadd.s32 $0x1D7800, s1  }
0xf: {  	s25 =	simm.s32 $0x0;
	v7 =	vadd.s32 $0x6, v0;
	v11 =	vadd.s32 $0xA, v0;
	v12 =	vadd.s32 $0xB, v0;
	s16 =	sadd.s32 $0x1DF800, s1;
	s18 =	sadd.s32 $0x1E7800, s1  }
0x10: {  	v8 =	vadd.s32 $0x7, v0;
	v13 =	vadd.s32 $0xC, v0;
	v14 =	vadd.s32 $0xD, v0;
	s17 =	smax.u32 s0, $0x1;
	s19 =	sadd.s32 $0x1EF800, s1;
	s20 =	sadd.s32 $0x1F7800, s1  }
0x11: {  	v9 =	vadd.s32 $0x8, v0;
	v15 =	vadd.s32 $0xE, v0;
	v16 =	vadd.s32 $0xF, v0;
	s4 =	sadd.s32 $0x1F800, s4;
	s21 =	sadd.s32 $0x1FF800, s1;
	s1 =	simm.s32 $0x4200  }
.LBB2_1:
0x12: {  	[tilespmem:s2], [sflag:$0x1] =	stream.strided.gather [hbm4b:s4+s22], $0x200, s23, s22, $0x38;
	[tilespmem:$0x4E80] =	vst v63  }
0x13: {  	[tilespmem:$0x4200] =	vst v1  }
0x14: {  	[tilespmem:$0x4210] =	vst v1  }
0x15: {  	[tilespmem:$0x4220] =	vst v1  }
0x16: {  	[tilespmem:$0x4230] =	vst v1  }
0x17: {  	[tilespmem:$0x4240] =	vst v1  }
0x18: {  	[tilespmem:$0x4250] =	vst v1  }
0x19: {  	[tilespmem:$0x4260] =	vst v1  }
0x1a: {  	[tilespmem:$0x4270] =	vst v1  }
0x1b: {  	[tilespmem:$0x4280] =	vst v1  }
0x1c: {  	[tilespmem:$0x4290] =	vst v1  }
0x1d: {  	[tilespmem:$0x42A0] =	vst v1  }
0x1e: {  	[tilespmem:$0x42B0] =	vst v1  }
0x1f: {  	[tilespmem:$0x42C0] =	vst v1  }
0x20: {  	[tilespmem:$0x42D0] =	vst v1  }
0x21: {  	[tilespmem:$0x42E0] =	vst v1  }
0x22: {  	[tilespmem:$0x42F0] =	vst v1  }
0x23: {  	[tilespmem:$0x4300] =	vst v1  }
0x24: {  	[tilespmem:$0x4310] =	vst v1  }
0x25: {  	[tilespmem:$0x4320] =	vst v1  }
0x26: {  	[tilespmem:$0x4330] =	vst v1  }
0x27: {  	[tilespmem:$0x4340] =	vst v1  }
0x28: {  	[tilespmem:$0x4350] =	vst v1  }
0x29: {  	[tilespmem:$0x4360] =	vst v1  }
0x2a: {  	[tilespmem:$0x4370] =	vst v1  }
0x2b: {  	[tilespmem:$0x4380] =	vst v1  }
0x2c: {  	[tilespmem:$0x4390] =	vst v1  }
0x2d: {  	[tilespmem:$0x43A0] =	vst v1  }
0x2e: {  	[tilespmem:$0x43B0] =	vst v1  }
0x2f: {  	[tilespmem:$0x43C0] =	vst v1  }
0x30: {  	[tilespmem:$0x43D0] =	vst v1  }
0x31: {  	[tilespmem:$0x43E0] =	vst v1  }
0x32: {  	[tilespmem:$0x43F0] =	vst v1  }
0x33: {  	[tilespmem:$0x4400] =	vst v1  }
0x34: {  	[tilespmem:$0x4410] =	vst v1  }
0x35: {  	[tilespmem:$0x4420] =	vst v1  }
0x36: {  	[tilespmem:$0x4430] =	vst v1  }
0x37: {  	[tilespmem:$0x4440] =	vst v1  }
0x38: {  	[tilespmem:$0x4450] =	vst v1  }
0x39: {  	[tilespmem:$0x4460] =	vst v1  }
0x3a: {  	[tilespmem:$0x4470] =	vst v1  }
0x3b: {  	[tilespmem:$0x4480] =	vst v1  }
0x3c: {  	[tilespmem:$0x4490] =	vst v1  }
0x3d: {  	[tilespmem:$0x44A0] =	vst v1  }
0x3e: {  	[tilespmem:$0x44B0] =	vst v1  }
0x3f: {  	[tilespmem:$0x44C0] =	vst v1  }
0x40: {  	[tilespmem:$0x44D0] =	vst v1  }
0x41: {  	[tilespmem:$0x44E0] =	vst v1  }
0x42: {  	[tilespmem:$0x44F0] =	vst v1  }
0x43: {  	[tilespmem:$0x4500] =	vst v1  }
0x44: {  	[tilespmem:$0x4510] =	vst v1  }
0x45: {  	[tilespmem:$0x4520] =	vst v1  }
0x46: {  	[tilespmem:$0x4530] =	vst v1  }
0x47: {  	[tilespmem:$0x4540] =	vst v1  }
0x48: {  	[tilespmem:$0x4550] =	vst v1  }
0x49: {  	[tilespmem:$0x4560] =	vst v1  }
0x4a: {  	[tilespmem:$0x4570] =	vst v1  }
0x4b: {  	[tilespmem:$0x4580] =	vst v1  }
0x4c: {  	[tilespmem:$0x4590] =	vst v1  }
0x4d: {  	[tilespmem:$0x45A0] =	vst v1  }
0x4e: {  	[tilespmem:$0x45B0] =	vst v1  }
0x4f: {  	[tilespmem:$0x45C0] =	vst v1  }
0x50: {  	[tilespmem:$0x45D0] =	vst v1  }
0x51: {  	[tilespmem:$0x45E0] =	vst v1  }
0x52: {  	[tilespmem:$0x45F0] =	vst v1  }
0x53: {  	[tilespmem:$0x4600] =	vst v1  }
0x54: {  	[tilespmem:$0x4610] =	vst v1  }
0x55: {  	[tilespmem:$0x4620] =	vst v1  }
0x56: {  	[tilespmem:$0x4630] =	vst v1  }
0x57: {  	[tilespmem:$0x4640] =	vst v1  }
0x58: {  	[tilespmem:$0x4650] =	vst v1  }
0x59: {  	[tilespmem:$0x4660] =	vst v1  }
0x5a: {  	[tilespmem:$0x4670] =	vst v1  }
0x5b: {  	[tilespmem:$0x4680] =	vst v1  }
0x5c: {  	[tilespmem:$0x4690] =	vst v1  }
0x5d: {  	[tilespmem:$0x46A0] =	vst v1  }
0x5e: {  	[tilespmem:$0x46B0] =	vst v1  }
0x5f: {  	[tilespmem:$0x46C0] =	vst v1  }
0x60: {  	[tilespmem:$0x46D0] =	vst v1  }
0x61: {  	[tilespmem:$0x46E0] =	vst v1  }
0x62: {  	[tilespmem:$0x46F0] =	vst v1  }
0x63: {  	[tilespmem:$0x4700] =	vst v1  }
0x64: {  	[tilespmem:$0x4710] =	vst v1  }
0x65: {  	[tilespmem:$0x4720] =	vst v1  }
0x66: {  	[tilespmem:$0x4730] =	vst v1  }
0x67: {  	[tilespmem:$0x4740] =	vst v1  }
0x68: {  	[tilespmem:$0x4750] =	vst v1  }
0x69: {  	[tilespmem:$0x4760] =	vst v1  }
0x6a: {  	[tilespmem:$0x4770] =	vst v1  }
0x6b: {  	[tilespmem:$0x4780] =	vst v1  }
0x6c: {  	[tilespmem:$0x4790] =	vst v1  }
0x6d: {  	[tilespmem:$0x47A0] =	vst v1  }
0x6e: {  	[tilespmem:$0x47B0] =	vst v1  }
0x6f: {  	[tilespmem:$0x47C0] =	vst v1  }
0x70: {  	[tilespmem:$0x47D0] =	vst v1  }
0x71: {  	[tilespmem:$0x47E0] =	vst v1  }
0x72: {  	[tilespmem:$0x47F0] =	vst v1  }
0x73: {  	[tilespmem:$0x4800] =	vst v1  }
0x74: {  	[tilespmem:$0x4810] =	vst v1  }
0x75: {  	[tilespmem:$0x4820] =	vst v1  }
0x76: {  	[tilespmem:$0x4830] =	vst v1  }
0x77: {  	[tilespmem:$0x4840] =	vst v1  }
0x78: {  	[tilespmem:$0x4850] =	vst v1  }
0x79: {  	[tilespmem:$0x4860] =	vst v1  }
0x7a: {  	[tilespmem:$0x4870] =	vst v1  }
0x7b: {  	[tilespmem:$0x4880] =	vst v1  }
0x7c: {  	[tilespmem:$0x4890] =	vst v1  }
0x7d: {  	[tilespmem:$0x48A0] =	vst v1  }
0x7e: {  	[tilespmem:$0x48B0] =	vst v1  }
0x7f: {  	[tilespmem:$0x48C0] =	vst v1  }
0x80: {  	[tilespmem:$0x48D0] =	vst v1  }
0x81: {  	[tilespmem:$0x48E0] =	vst v1  }
0x82: {  	[tilespmem:$0x48F0] =	vst v1  }
0x83: {  	[tilespmem:$0x4900] =	vst v1  }
0x84: {  	[tilespmem:$0x4910] =	vst v1  }
0x85: {  	[tilespmem:$0x4920] =	vst v1  }
0x86: {  	[tilespmem:$0x4930] =	vst v1  }
0x87: {  	[tilespmem:$0x4940] =	vst v1  }
0x88: {  	[tilespmem:$0x4950] =	vst v1  }
0x89: {  	[tilespmem:$0x4960] =	vst v1  }
0x8a: {  	[tilespmem:$0x4970] =	vst v1  }
0x8b: {  	[tilespmem:$0x4980] =	vst v1  }
0x8c: {  	[tilespmem:$0x4990] =	vst v1  }
0x8d: {  	[tilespmem:$0x49A0] =	vst v1  }
0x8e: {  	[tilespmem:$0x49B0] =	vst v1  }
0x8f: {  	[tilespmem:$0x49C0] =	vst v1  }
0x90: {  	[tilespmem:$0x49D0] =	vst v1  }
0x91: {  	[tilespmem:$0x49E0] =	vst v1  }
0x92: {  	[tilespmem:$0x49F0] =	vst v1  }
0x93: {  	s26 =	simm.s32 $0x200;
	[tilespmem:$0x4A00] =	vst v1  }
0x94: {  	[tilespmem:s26], [sflag:$0x2] =	stream.strided.gather [hbm4b:s3+s22], $0x200, s23, s22, $0x38;
	[tilespmem:$0x4E80] =	vst v63  }
0x95: {  	_ = 	snop  }
0x96: {  	[tilespmem:s23], [sflag:$0x2] =	stream.strided.gather [hbm4b:s6+s22], $0x200, s23, s22, $0x38;
	[tilespmem:$0x4E80] =	vst v63  }
0x97: {  	s0 =	simm.s32 $0x600  }
0x98: {  	[tilespmem:s0], [sflag:$0x2] =	stream.strided.gather [hbm4b:s7+s22], $0x200, s23, s22, $0x38;
	[tilespmem:$0x4E80] =	vst v63  }
0x99: {  	s0 =	simm.s32 $0x800  }
0x9a: {  	[tilespmem:s0], [sflag:$0x2] =	stream.strided.gather [hbm4b:s8+s22], $0x200, s23, s22, $0x38;
	[tilespmem:$0x4E80] =	vst v63  }
0x9b: {  	s0 =	simm.s32 $0xA00  }
0x9c: {  	[tilespmem:s0], [sflag:$0x2] =	stream.strided.gather [hbm4b:s9+s22], $0x200, s23, s22, $0x38;
	[tilespmem:$0x4E80] =	vst v63  }
0x9d: {  	s0 =	simm.s32 $0xC00  }
0x9e: {  	[tilespmem:s0], [sflag:$0x2] =	stream.strided.gather [hbm4b:s10+s22], $0x200, s23, s22, $0x38;
	[tilespmem:$0x4E80] =	vst v63  }
0x9f: {  	s0 =	simm.s32 $0xE00  }
0xa0: {  	[tilespmem:s0], [sflag:$0x2] =	stream.strided.gather [hbm4b:s11+s22], $0x200, s23, s22, $0x38;
	[tilespmem:$0x4E80] =	vst v63  }
0xa1: {  	s0 =	simm.s32 $0x1000  }
0xa2: {  	[tilespmem:s0], [sflag:$0x2] =	stream.strided.gather [hbm4b:s12+s22], $0x200, s23, s22, $0x38;
	[tilespmem:$0x4E80] =	vst v63  }
0xa3: {  	s0 =	simm.s32 $0x1200  }
0xa4: {  	[tilespmem:s0], [sflag:$0x2] =	stream.strided.gather [hbm4b:s13+s22], $0x200, s23, s22, $0x38;
	[tilespmem:$0x4E80] =	vst v63  }
0xa5: {  	s0 =	simm.s32 $0x1400  }
0xa6: {  	[tilespmem:s0], [sflag:$0x2] =	stream.strided.gather [hbm4b:s14+s22], $0x200, s23, s22, $0x38;
	[tilespmem:$0x4E80] =	vst v63  }
0xa7: {  	s0 =	simm.s32 $0x1600  }
0xa8: {  	[tilespmem:s0], [sflag:$0x2] =	stream.strided.gather [hbm4b:s15+s22], $0x200, s23, s22, $0x38;
	[tilespmem:$0x4E80] =	vst v63  }
0xa9: {  	s0 =	simm.s32 $0x1800  }
0xaa: {  	[tilespmem:s0], [sflag:$0x2] =	stream.strided.gather [hbm4b:s16+s22], $0x200, s23, s22, $0x38;
	[tilespmem:$0x4E80] =	vst v63  }
0xab: {  	s0 =	simm.s32 $0x1A00  }
0xac: {  	[tilespmem:s0], [sflag:$0x2] =	stream.strided.gather [hbm4b:s18+s22], $0x200, s23, s22, $0x38;
	[tilespmem:$0x4E80] =	vst v63  }
0xad: {  	s0 =	simm.s32 $0x1C00  }
0xae: {  	[tilespmem:s0], [sflag:$0x2] =	stream.strided.gather [hbm4b:s19+s22], $0x200, s23, s22, $0x38;
	[tilespmem:$0x4E80] =	vst v63  }
0xaf: {  	s0 =	simm.s32 $0x1E00  }
0xb0: {  	[tilespmem:s0], [sflag:$0x2] =	stream.strided.gather [hbm4b:s20+s22], $0x200, s23, s22, $0x38;
	[tilespmem:$0x4E80] =	vst v63  }
0xb1: {  	s0 =	simm.s32 $0x2000  }
0xb2: {  	[tilespmem:s0], [sflag:$0x2] =	stream.strided.gather [hbm4b:s21+s22], $0x200, s23, s22, $0x38;
	[tilespmem:$0x4E80] =	vst v63  }
0xb3: {  	_ =	swait.ge [sflag:s30], $0x200  }
0xb4: {  	[sflag:s30] =	ssyncset.done $0x0  }
0xb5: {  	[sflag:s30] =	ssyncadd.s32 $0xFFFFFE00  }
0xb6: {  	_ =	swait.ge [sflag:s31], $0x2000  }
0xb7: {  	[sflag:s31] =	ssyncset.done $0x0  }
0xb8: {  	[sflag:s31] =	ssyncadd.s32 $0xFFFFE000  }
0xb9: {  	v17 =	vld [tilespmem:s2+$0x0];
	_ =	sdelay $0x4  }
0xba: {  	v17 =	vshll.u32 v17, $0x4  }
0xbb: {  	v19 =	vld [tilespmem:s26+$0x0];
	v18 =	vadd.s32 v0, v17;
	_ =	sdelay $0x4  }
0xbc: {  	s0 =	sand.u32 $0x1F0, s2;
	[tilespmem:v18+s1+$0x0] =	vst.idx.add.f32.msk $0xffff, v19  }
0xbd: {  	v19 =	vadd.s32 v2, v17;
	v18 =	vld [tilespmem:s0+$0x400];
	_ =	sdelay $0x4  }
0xbe: {  	[tilespmem:v19+s1+$0x0] =	vst.idx.add.f32.msk $0xffff, v18  }
0xbf: {  	v19 =	vadd.s32 v3, v17;
	v18 =	vld [tilespmem:s0+$0x600];
	_ =	sdelay $0x4  }
0xc0: {  	[tilespmem:v19+s1+$0x0] =	vst.idx.add.f32.msk $0xffff, v18  }
0xc1: {  	v19 =	vadd.s32 v4, v17;
	v18 =	vld [tilespmem:s0+$0x800];
	_ =	sdelay $0x4  }
0xc2: {  	[tilespmem:v19+s1+$0x0] =	vst.idx.add.f32.msk $0xffff, v18  }
0xc3: {  	v19 =	vadd.s32 v5, v17;
	v18 =	vld [tilespmem:s0+$0xA00];
	_ =	sdelay $0x4  }
0xc4: {  	[tilespmem:v19+s1+$0x0] =	vst.idx.add.f32.msk $0xffff, v18  }
0xc5: {  	v19 =	vadd.s32 v6, v17;
	v18 =	vld [tilespmem:s0+$0xC00];
	_ =	sdelay $0x4  }
0xc6: {  	[tilespmem:v19+s1+$0x0] =	vst.idx.add.f32.msk $0xffff, v18  }
0xc7: {  	v19 =	vadd.s32 v7, v17;
	v18 =	vld [tilespmem:s0+$0xE00];
	_ =	sdelay $0x4  }
0xc8: {  	[tilespmem:v19+s1+$0x0] =	vst.idx.add.f32.msk $0xffff, v18  }
0xc9: {  	v19 =	vadd.s32 v8, v17;
	v18 =	vld [tilespmem:s0+$0x1000];
	_ =	sdelay $0x4  }
0xca: {  	[tilespmem:v19+s1+$0x0] =	vst.idx.add.f32.msk $0xffff, v18  }
0xcb: {  	v19 =	vadd.s32 v9, v17;
	v18 =	vld [tilespmem:s0+$0x1200];
	_ =	sdelay $0x4  }
0xcc: {  	[tilespmem:v19+s1+$0x0] =	vst.idx.add.f32.msk $0xffff, v18  }
0xcd: {  	v19 =	vadd.s32 v10, v17;
	v18 =	vld [tilespmem:s0+$0x1400];
	_ =	sdelay $0x4  }
0xce: {  	[tilespmem:v19+s1+$0x0] =	vst.idx.add.f32.msk $0xffff, v18  }
0xcf: {  	v19 =	vadd.s32 v11, v17;
	v18 =	vld [tilespmem:s0+$0x1600];
	_ =	sdelay $0x4  }
0xd0: {  	[tilespmem:v19+s1+$0x0] =	vst.idx.add.f32.msk $0xffff, v18  }
0xd1: {  	v19 =	vadd.s32 v12, v17;
	v18 =	vld [tilespmem:s0+$0x1800];
	_ =	sdelay $0x4  }
0xd2: {  	[tilespmem:v19+s1+$0x0] =	vst.idx.add.f32.msk $0xffff, v18  }
0xd3: {  	v19 =	vadd.s32 v13, v17;
	v18 =	vld [tilespmem:s0+$0x1A00];
	_ =	sdelay $0x4  }
0xd4: {  	[tilespmem:v19+s1+$0x0] =	vst.idx.add.f32.msk $0xffff, v18  }
0xd5: {  	v19 =	vadd.s32 v14, v17;
	v18 =	vld [tilespmem:s0+$0x1C00];
	_ =	sdelay $0x4  }
0xd6: {  	[tilespmem:v19+s1+$0x0] =	vst.idx.add.f32.msk $0xffff, v18  }
0xd7: {  	v19 =	vadd.s32 v15, v17;
	v18 =	vld [tilespmem:s0+$0x1E00];
	_ =	sdelay $0x4  }
0xd8: {  	[tilespmem:v19+s1+$0x0] =	vst.idx.add.f32.msk $0xffff, v18  }
0xd9: {  	s28 =	simm.s32 $0x10;
	s29 =	simm.s32 $0x0;
	v17 =	vadd.s32 v16, v17;
	v18 =	vld [tilespmem:s0+$0x2000]  }
.LBB2_2:
0xda: {  	_ =	sdelay $0x3  }
0xdb: {  	p0 =	sne.s32 s28, $0x1F0;
	s29 =	sadd.s32 $0x10, s29;
	s26 =	sadd.s32 $0x10, s26;
	[tilespmem:v17+s1+$0x0] =	vst.idx.add.f32.msk $0xffff, v18  }
0xdc: {  	s0 =	smov.u32 s28;
	s28 =	sadd.s32 $0x10, s28;
	v17 =	vld [tilespmem:s29+$0x0];
	_ =	sdelay $0x4  }
0xdd: {  	v17 =	vshll.u32 v17, $0x4  }
0xde: {  	v18 =	vadd.s32 v0, v17;
	v19 =	vld [tilespmem:s26+$0x0];
	_ =	sdelay $0x4  }
0xdf: {  	s0 =	sand.u32 $0x1F0, s0;
	[tilespmem:v18+s1+$0x0] =	vst.idx.add.f32.msk $0xffff, v19  }
0xe0: {  	v19 =	vadd.s32 v2, v17;
	v18 =	vld [tilespmem:s0+$0x400];
	_ =	sdelay $0x4  }
0xe1: {  	[tilespmem:v19+s1+$0x0] =	vst.idx.add.f32.msk $0xffff, v18  }
0xe2: {  	v19 =	vadd.s32 v3, v17;
	v18 =	vld [tilespmem:s0+$0x600];
	_ =	sdelay $0x4  }
0xe3: {  	[tilespmem:v19+s1+$0x0] =	vst.idx.add.f32.msk $0xffff, v18  }
0xe4: {  	v19 =	vadd.s32 v4, v17;
	v18 =	vld [tilespmem:s0+$0x800];
	_ =	sdelay $0x4  }
0xe5: {  	[tilespmem:v19+s1+$0x0] =	vst.idx.add.f32.msk $0xffff, v18  }
0xe6: {  	v19 =	vadd.s32 v5, v17;
	v18 =	vld [tilespmem:s0+$0xA00];
	_ =	sdelay $0x4  }
0xe7: {  	[tilespmem:v19+s1+$0x0] =	vst.idx.add.f32.msk $0xffff, v18  }
0xe8: {  	v19 =	vadd.s32 v6, v17;
	v18 =	vld [tilespmem:s0+$0xC00];
	_ =	sdelay $0x4  }
0xe9: {  	[tilespmem:v19+s1+$0x0] =	vst.idx.add.f32.msk $0xffff, v18  }
0xea: {  	v19 =	vadd.s32 v7, v17;
	v18 =	vld [tilespmem:s0+$0xE00];
	_ =	sdelay $0x4  }
0xeb: {  	[tilespmem:v19+s1+$0x0] =	vst.idx.add.f32.msk $0xffff, v18  }
0xec: {  	v19 =	vadd.s32 v8, v17;
	v18 =	vld [tilespmem:s0+$0x1000];
	_ =	sdelay $0x4  }
0xed: {  	[tilespmem:v19+s1+$0x0] =	vst.idx.add.f32.msk $0xffff, v18  }
0xee: {  	v19 =	vadd.s32 v9, v17;
	v18 =	vld [tilespmem:s0+$0x1200];
	_ =	sdelay $0x4  }
0xef: {  	[tilespmem:v19+s1+$0x0] =	vst.idx.add.f32.msk $0xffff, v18  }
0xf0: {  	v19 =	vadd.s32 v10, v17;
	v18 =	vld [tilespmem:s0+$0x1400];
	_ =	sdelay $0x4  }
0xf1: {  	[tilespmem:v19+s1+$0x0] =	vst.idx.add.f32.msk $0xffff, v18  }
0xf2: {  	v19 =	vadd.s32 v11, v17;
	v18 =	vld [tilespmem:s0+$0x1600];
	_ =	sdelay $0x4  }
0xf3: {  	[tilespmem:v19+s1+$0x0] =	vst.idx.add.f32.msk $0xffff, v18  }
0xf4: {  	v19 =	vadd.s32 v12, v17;
	v18 =	vld [tilespmem:s0+$0x1800];
	_ =	sdelay $0x4  }
0xf5: {  	[tilespmem:v19+s1+$0x0] =	vst.idx.add.f32.msk $0xffff, v18  }
0xf6: {  	v19 =	vadd.s32 v13, v17;
	v18 =	vld [tilespmem:s0+$0x1A00];
	_ =	sdelay $0x4  }
0xf7: {  	[tilespmem:v19+s1+$0x0] =	vst.idx.add.f32.msk $0xffff, v18  }
0xf8: {  	v19 =	vadd.s32 v14, v17;
	v18 =	vld [tilespmem:s0+$0x1C00];
	_ =	sdelay $0x4  }
0xf9: {  	[tilespmem:v19+s1+$0x0] =	vst.idx.add.f32.msk $0xffff, v18  }
0xfa: {  	v19 =	vadd.s32 v15, v17;
	v18 =	vld [tilespmem:s0+$0x1E00];
	_ =	sdelay $0x1  }
.Ltmp0:
0xfb: {  	(pc) =	sbr.rel @p0 .LBB2_2-.Ltmp0, $3  }
0xfc: {  	_ =	sdelay $0x1  }
0xfd: {  	[tilespmem:v19+s1+$0x0] =	vst.idx.add.f32.msk $0xffff, v18  }
0xfe: {  	v17 =	vadd.s32 v16, v17;
	v18 =	vld [tilespmem:s0+$0x2000]  }
0xff: {  	_ =	sdelay $0x3  }
0x100: {  	[tilespmem:v17+s1+$0x0] =	vst.idx.add.f32.msk $0xffff, v18  }
0x101: {  	v17 =	vld [tilespmem:$0x4587];
	_ =	sdelay $0x4  }
0x102: {  	[tilespmem:$0x1FE70] =	vst v17;
	v17 =	vld [tilespmem:$0x4608];
	_ =	sdelay $0x4  }
0x103: {  	[tilespmem:$0x1FE80] =	vst v17;
	v17 =	vld [tilespmem:$0x4689];
	_ =	sdelay $0x4  }
0x104: {  	[tilespmem:$0x1FE90] =	vst v17;
	v17 =	vld [tilespmem:$0x470A];
	_ =	sdelay $0x4  }
0x105: {  	[tilespmem:$0x1FEA0] =	vst v17;
	v17 =	vld [tilespmem:$0x478B];
	_ =	sdelay $0x1  }
0x106: {  	v31 =	vld [tilespmem:$0x4200]  }
0x107: {  	v29 =	vld [tilespmem:$0x4281]  }
0x108: {  	v32 =	vld [tilespmem:$0x4302]  }
0x109: {  	[tilespmem:$0x1FEC0] =	vst v17;
	v17 =	vld [tilespmem:$0x480C]  }
0x10a: {  	v34 =	vld [tilespmem:$0x4383]  }
0x10b: {  	v41 =	vld [tilespmem:$0x4404]  }
0x10c: {  	v44 =	vld [tilespmem:$0x4485]  }
0x10d: {  	v47 =	vld [tilespmem:$0x4506]  }
0x10e: {  	[tilespmem:$0x1FEE0] =	vst v17;
	v17 =	vld [tilespmem:$0x488D]  }
0x10f: {  	v26 =	vld [tilespmem:$0x4210]  }
0x110: {  	v24 =	vld [tilespmem:$0x4291]  }
0x111: {  	v36 =	vld [tilespmem:$0x4312]  }
0x112: {  	v37 =	vld [tilespmem:$0x4393]  }
0x113: {  	[tilespmem:$0x1FF00] =	vst v17;
	v17 =	vld [tilespmem:$0x490E]  }
0x114: {  	v38 =	vld [tilespmem:$0x4414]  }
0x115: {  	v39 =	vld [tilespmem:$0x4495]  }
0x116: {  	v40 =	vld [tilespmem:$0x4516]  }
0x117: {  	v42 =	vld [tilespmem:$0x4597]  }
0x118: {  	[tilespmem:$0x1FF30] =	vst v17;
	v17 =	vld [tilespmem:$0x498F]  }
0x119: {  	v45 =	vld [tilespmem:$0x4618]  }
0x11a: {  	v48 =	vld [tilespmem:$0x4699]  }
0x11b: {  	v25 =	vld [tilespmem:$0x4220]  }
0x11c: {  	v50 =	vld [tilespmem:$0x42A1]  }
0x11d: {  	[tilespmem:$0x1FF60] =	vst v17;
	v17 =	vld [tilespmem:$0x471A]  }
0x11e: {  	v51 =	vld [tilespmem:$0x4322]  }
0x11f: {  	v52 =	vld [tilespmem:$0x43A3]  }
0x120: {  	v53 =	vld [tilespmem:$0x4424]  }
0x121: {  	v54 =	vld [tilespmem:$0x44A5]  }
0x122: {  	[tilespmem:$0x1FEB0] =	vst v17;
	v17 =	vld [tilespmem:$0x479B]  }
0x123: {  	v55 =	vld [tilespmem:$0x4526]  }
0x124: {  	v56 =	vld [tilespmem:$0x45A7]  }
0x125: {  	v57 =	vld [tilespmem:$0x4628]  }
0x126: {  	v58 =	vld [tilespmem:$0x46A9]  }
0x127: {  	[tilespmem:$0x1FED0] =	vst v17;
	v17 =	vld [tilespmem:$0x481C]  }
0x128: {  	v59 =	vld [tilespmem:$0x472A]  }
0x129: {  	v60 =	vld [tilespmem:$0x47AB]  }
0x12a: {  	v18 =	vld [tilespmem:$0x4230]  }
0x12b: {  	v19 =	vld [tilespmem:$0x4332]  }
0x12c: {  	[tilespmem:$0x1FEF0] =	vst v17;
	v17 =	vld [tilespmem:$0x489D]  }
0x12d: {  	v20 =	vld [tilespmem:$0x43B3]  }
0x12e: {  	v21 =	vld [tilespmem:$0x4434]  }
0x12f: {  	v22 =	vld [tilespmem:$0x44B5]  }
0x130: {  	v23 =	vld [tilespmem:$0x4536]  }
0x131: {  	[tilespmem:$0x1FF20] =	vst v17;
	v17 =	vld [tilespmem:$0x491E]  }
0x132: {  	v27 =	vld [tilespmem:$0x45B7]  }
0x133: {  	v28 =	vld [tilespmem:$0x4638]  }
0x134: {  	v30 =	vld [tilespmem:$0x46B9]  }
0x135: {  	v33 =	vld [tilespmem:$0x473A]  }
0x136: {  	[tilespmem:$0x1FF50] =	vst v17;
	v17 =	vld [tilespmem:$0x499F]  }
0x137: {  	v35 =	vld [tilespmem:$0x47BB]  }
0x138: {  	v63 =	vld [tilespmem:$0x4342]  }
0x139: {  	v43 =	vld [tilespmem:$0x483C]  }
0x13a: {  	v46 =	vld [tilespmem:$0x48BD]  }
0x13b: {  	[tilespmem:$0x1FF80] =	vst v17;
	v17 =	vld [tilespmem:$0x482C]  }
0x13c: {  	v61 =	vld [tilespmem:$0x49BF]  }
0x13d: {  	[tilespmem:$0x1FFB0] =	vst v63;
	v63 =	vld [tilespmem:$0x43C3]  }
0x13e: {  	v49 =	vld [tilespmem:$0x493E]  }
0x13f: {  	v62 =	vld [tilespmem:$0x4240]  }
0x140: {  	[tilespmem:$0x1FF10] =	vst v17;
	v17 =	vld [tilespmem:$0x48AD]  }
0x141: {  	[tilespmem:$0x1FFA0] =	vst v61;
	v61 =	vld [tilespmem:$0x42C1]  }
0x142: {  	v24 =	vadd.f32 v24, v26;
	[tilespmem:$0x1FFC0] =	vst v63;
	v63 =	vld [tilespmem:$0x4444]  }
0x143: {  	v29 =	vadd.f32 v29, v31;
	v31 =	vld [tilespmem:$0x45C7]  }
0x144: {  	v26 =	vld [tilespmem:$0x4648];
	v36 =	vadd.f32 v36, v24  }
0x145: {  	[tilespmem:$0x1FF40] =	vst v17;
	v17 =	vld [tilespmem:$0x492E]  }
0x146: {  	v24 =	vld [tilespmem:$0x474A];
	v36 =	vadd.f32 v37, v36  }
0x147: {  	[tilespmem:$0x1FFD0] =	vst v63;
	v63 =	vld [tilespmem:$0x44C5]  }
0x148: {  	v29 =	vadd.f32 v32, v29;
	v32 =	vld [tilespmem:$0x47CB];
	v36 =	vadd.f32 v38, v36  }
0x149: {  	v38 =	vld [tilespmem:$0x42D1]  }
0x14a: {  	v36 =	vadd.f32 v39, v36;
	[tilespmem:$0x1FF70] =	vst v17;
	v17 =	vld [tilespmem:$0x49AF]  }
0x14b: {  	v39 =	vld [tilespmem:$0x43D3]  }
0x14c: {  	v36 =	vadd.f32 v40, v36;
	[tilespmem:$0x1FFE0] =	vst v63;
	v63 =	vld [tilespmem:$0x4546]  }
0x14d: {  	v40 =	vld [tilespmem:$0x44D5]  }
0x14e: {  	v36 =	vadd.f32 v42, v36;
	v42 =	vld [tilespmem:$0x46D9]  }
0x14f: {  	[tilespmem:$0x1FF90] =	vst v17;
	v17 =	vld [tilespmem:$0x42B1]  }
0x150: {  	v36 =	vadd.f32 v45, v36;
	v45 =	vld [tilespmem:$0x48DD]  }
0x151: {  	[tilespmem:$0x1FFF0] =	vst v63;
	v63 =	vadd.f32 v50, v25;
	v25 =	vld [tilespmem:$0x46C9]  }
0x152: {  	v36 =	vadd.f32 v48, v36;
	v48 =	vld [tilespmem:$0x1FEE0]  }
0x153: {  	v50 =	vadd.f32 v51, v63;
	v63 =	vld [tilespmem:$0x1FED0]  }
0x154: {  	v17 =	vadd.f32 v17, v18;
	v18 =	vadd.f32 v34, v29;
	v29 =	vld [tilespmem:$0x484C]  }
0x155: {  	v34 =	vadd.f32 v52, v50;
	v50 =	vld [tilespmem:$0x1FEF0]  }
0x156: {  	v52 =	vld [tilespmem:$0x1FF10]  }
0x157: {  	v17 =	vadd.f32 v19, v17;
	v19 =	vld [tilespmem:$0x48CD]  }
0x158: {  	v51 =	vadd.f32 v41, v18;
	v18 =	vld [tilespmem:$0x494E]  }
0x159: {  	v34 =	vadd.f32 v53, v34;
	v53 =	vld [tilespmem:$0x1FE70]  }
0x15a: {  	v41 =	vld [tilespmem:$0x45D7]  }
0x15b: {  	v20 =	vadd.f32 v20, v17;
	v17 =	vld [tilespmem:$0x49CF]  }
0x15c: {  	v34 =	vadd.f32 v54, v34;
	v54 =	vld [tilespmem:$0x1FE80]  }
0x15d: {  	v37 =	vadd.f32 v44, v51;
	v44 =	vld [tilespmem:$0x47DB]  }
0x15e: {  	v51 =	vld [tilespmem:$0x1FF00]  }
0x15f: {  	v20 =	vadd.f32 v21, v20;
	v21 =	vld [tilespmem:$0x4250]  }
0x160: {  	v34 =	vadd.f32 v55, v34;
	v55 =	vld [tilespmem:$0x1FE90]  }
0x161: {  	v37 =	vadd.f32 v47, v37;
	v47 =	vld [tilespmem:$0x49DF]  }
0x162: {  	v20 =	vadd.f32 v22, v20;
	v22 =	vld [tilespmem:$0x4352]  }
0x163: {  	v34 =	vadd.f32 v56, v34;
	v56 =	vld [tilespmem:$0x1FEA0]  }
0x164: {  	v37 =	vadd.f32 v53, v37;
	v53 =	vld [tilespmem:$0x1FF20]  }
0x165: {  	v20 =	vadd.f32 v23, v20;
	v23 =	vld [tilespmem:$0x4454]  }
0x166: {  	v34 =	vadd.f32 v57, v34;
	v57 =	vld [tilespmem:$0x1FEB0]  }
0x167: {  	v37 =	vadd.f32 v54, v37;
	v54 =	vld [tilespmem:$0x1FF30]  }
0x168: {  	v20 =	vadd.f32 v27, v20;
	v27 =	vld [tilespmem:$0x4556]  }
0x169: {  	v34 =	vadd.f32 v58, v34;
	v58 =	vld [tilespmem:$0x1FEC0]  }
0x16a: {  	v37 =	vadd.f32 v55, v37;
	v55 =	vld [tilespmem:$0x1FF40]  }
0x16b: {  	v20 =	vadd.f32 v28, v20;
	v28 =	vld [tilespmem:$0x4658]  }
0x16c: {  	v37 =	vadd.f32 v56, v37;
	v56 =	vld [tilespmem:$0x1FF50]  }
0x16d: {  	v34 =	vadd.f32 v59, v34;
	v59 =	vld [tilespmem:$0x1FF80]  }
0x16e: {  	v36 =	vadd.f32 v57, v36;
	v57 =	vld [tilespmem:$0x1FF60]  }
0x16f: {  	v20 =	vadd.f32 v30, v20;
	v30 =	vld [tilespmem:$0x475A]  }
0x170: {  	v34 =	vadd.f32 v60, v34;
	v60 =	vld [tilespmem:$0x1FF90]  }
0x171: {  	v37 =	vadd.f32 v58, v37;
	v58 =	vld [tilespmem:$0x1FF70]  }
0x172: {  	v36 =	vadd.f32 v63, v36;
	v63 =	vadd.f32 v61, v62;
	v61 =	vld [tilespmem:$0x4464]  }
0x173: {  	v62 =	vld [tilespmem:$0x1FFC0];
	v20 =	vadd.f32 v33, v20  }
0x174: {  	v33 =	vld [tilespmem:$0x485C]  }
0x175: {  	v34 =	vadd.f32 v52, v34;
	v52 =	vld [tilespmem:$0x4372];
	v20 =	vadd.f32 v35, v20  }
0x176: {  	v37 =	vadd.f32 v48, v37;
	v48 =	vld [tilespmem:$0x42E1]  }
0x177: {  	v36 =	vadd.f32 v50, v36;
	v50 =	vld [tilespmem:$0x42F1];
	v20 =	vadd.f32 v43, v20  }
0x178: {  	v35 =	vld [tilespmem:$0x495E];
	v34 =	vadd.f32 v55, v34  }
0x179: {  	v37 =	vadd.f32 v51, v37;
	v43 =	vld [tilespmem:$0x4260];
	v20 =	vadd.f32 v46, v20  }
0x17a: {  	v34 =	vadd.f32 v58, v34;
	v58 =	vld [tilespmem:$0x1FFB0]  }
0x17b: {  	v37 =	vadd.f32 v54, v37;
	v20 =	vadd.f32 v49, v20;
	v49 =	vld [tilespmem:$0x4362]  }
0x17c: {  	v21 =	vadd.f32 v38, v21;
	v46 =	vld [tilespmem:$0x4270]  }
0x17d: {  	v36 =	vadd.f32 v53, v36;
	v37 =	vadd.f32 v57, v37;
	v57 =	vld [tilespmem:$0x43E3]  }
0x17e: {  	v55 =	vld [tilespmem:$0x1FFD0];
	v43 =	vadd.f32 v48, v43  }
0x17f: {  	v21 =	vadd.f32 v22, v21;
	v36 =	vadd.f32 v56, v36;
	v56 =	vld [tilespmem:$0x1FFA0]  }
0x180: {  	v54 =	vld [tilespmem:$0x44E5];
	v34 =	vadd.f32 v60, v34;
	v43 =	vadd.f32 v49, v43  }
0x181: {  	v36 =	vadd.f32 v59, v36;
	v59 =	vld [tilespmem:$0x43F3];
	v51 =	vadd.f32 v58, v63  }
0x182: {  	v58 =	vld [tilespmem:$0x1FFE0];
	v60 =	vadd.f32 v50, v46;
	v38 =	vadd.f32 v57, v43  }
0x183: {  	v21 =	vadd.f32 v39, v21;
	v63 =	vld [tilespmem:$0x4474];
	v50 =	vadd.f32 v62, v51  }
0x184: {  	v22 =	vadd.f32 v52, v60;
	v38 =	vadd.f32 v61, v38;
	v61 =	vld [tilespmem:$0x1FFF0]  }
0x185: {  	v20 =	vadd.f32 v56, v20;
	v56 =	vld [tilespmem:$0x44F5];
	v50 =	vadd.f32 v55, v50  }
0x186: {  	v21 =	vadd.f32 v23, v21;
	v22 =	vadd.f32 v59, v22;
	v57 =	vld [tilespmem:$0x4566]  }
0x187: {  	v48 =	vadd.f32 v58, v50;
	v59 =	vld [tilespmem:$0x4576]  }
0x188: {  	v21 =	vadd.f32 v40, v21;
	v60 =	vld [tilespmem:$0x45E7];
	v22 =	vadd.f32 v63, v22  }
0x189: {  	v62 =	vld [tilespmem:$0x45F7];
	v38 =	vadd.f32 v54, v38;
	v48 =	vadd.f32 v61, v48  }
0x18a: {  	v21 =	vadd.f32 v27, v21;
	v63 =	vld [tilespmem:$0x4668];
	v22 =	vadd.f32 v56, v22  }
0x18b: {  	v23 =	vadd.f32 v57, v38;
	v31 =	vadd.f32 v31, v48;
	v48 =	vld [tilespmem:$0x4678]  }
0x18c: {  	v21 =	vadd.f32 v41, v21;
	v49 =	vld [tilespmem:$0x46E9];
	v22 =	vadd.f32 v59, v22  }
0x18d: {  	v50 =	vld [tilespmem:$0x46F9];
	v23 =	vadd.f32 v60, v23;
	v26 =	vadd.f32 v26, v31  }
0x18e: {  	v21 =	vadd.f32 v28, v21;
	v51 =	vld [tilespmem:$0x476A];
	v22 =	vadd.f32 v62, v22  }
0x18f: {  	v52 =	vld [tilespmem:$0x477A];
	v23 =	vadd.f32 v63, v23;
	v25 =	vadd.f32 v25, v26  }
0x190: {  	v53 =	vld [tilespmem:$0x47EB];
	v21 =	vadd.f32 v42, v21;
	v22 =	vadd.f32 v48, v22  }
0x191: {  	v54 =	vld [tilespmem:$0x47FB];
	v23 =	vadd.f32 v49, v23;
	v24 =	vadd.f32 v24, v25  }
0x192: {  	v21 =	vadd.f32 v30, v21;
	v55 =	vld [tilespmem:$0x486C];
	v22 =	vadd.f32 v50, v22  }
0x193: {  	v56 =	vld [tilespmem:$0x487C];
	v23 =	vadd.f32 v51, v23;
	v24 =	vadd.f32 v32, v24  }
0x194: {  	v21 =	vadd.f32 v44, v21;
	v57 =	vld [tilespmem:$0x48ED];
	v22 =	vadd.f32 v52, v22  }
0x195: {  	v58 =	vld [tilespmem:$0x48FD];
	v23 =	vadd.f32 v53, v23;
	v24 =	vadd.f32 v29, v24  }
0x196: {  	v21 =	vadd.f32 v33, v21;
	v59 =	vld [tilespmem:$0x496E];
	v22 =	vadd.f32 v54, v22  }
0x197: {  	v60 =	vld [tilespmem:$0x497E];
	v23 =	vadd.f32 v55, v23;
	v19 =	vadd.f32 v19, v24  }
0x198: {  	v21 =	vadd.f32 v45, v21;
	v61 =	vld [tilespmem:$0x49EF];
	v22 =	vadd.f32 v56, v22  }
0x199: {  	[tilespmem:$0x4B80] =	vst v34;
	v62 =	vld [tilespmem:$0x49FF];
	v18 =	vadd.f32 v18, v19;
	v19 =	vadd.f32 v57, v23  }
0x19a: {  	[tilespmem:$0x4A80] =	vst v37;
	v21 =	vadd.f32 v35, v21;
	v22 =	vadd.f32 v58, v22  }
0x19b: {  	[tilespmem:$0x4B00] =	vst v36;
	v17 =	vadd.f32 v17, v18;
	v18 =	vadd.f32 v59, v19  }
0x19c: {  	[tilespmem:$0x4C00] =	vst v20;
	v19 =	vadd.f32 v47, v21;
	v63 =	vadd.f32 v60, v22  }
0x19d: {  	[tilespmem:$0x4C80] =	vst v17;
	v17 =	vadd.f32 v61, v18  }
0x19e: {  	s25 =	sadd.s32 $0x1, s25;
	[tilespmem:$0x4D00] =	vst v19;
	v18 =	vadd.f32 v62, v63  }
0x19f: {  	p0 =	sne.s32 s25, s17;
	[tilespmem:$0x4D80] =	vst v17  }
.Ltmp1:
0x1a0: {  	s0 =	simm.s32 $0x4A80;
	[tilespmem:$0x4E00] =	vst v18;
	(pc) =	sbr.rel @p0 .LBB2_1-.Ltmp1, $4  }
0x1a1: {  	[hbm4b:s5+s2] =	stream.linear.scatter [tilespmem:s0], [sflag:$0x3], $0x400, $0x38;
	[tilespmem:$0x4E80] =	vst v63  }
0x1a2: {  	_ =	swait.ge [sflag:s24], $0x400  }
0x1a3: {  	[sflag:s24] =	ssyncset.done $0x0  }
0x1a4: {  	[sflag:s24] =	ssyncadd.s32 $0xFFFFFC00  }
0x1a5: {  	_ =	sfence.sel $0x180000  }
0x1a6: {  	[bflag:$0x0] =	sbarrier.arrive $0xFFFF  }
0x1a7: {  	_ =	strace $0x90000047  }
0x1a8: {  	s0 =	stileid.u32;
	[bflag:$0x2] =	sbarrier.arrive $0xFFFF  }
0x1a9: {  	p0 =	sne.s32 s0, $0x0;
	s0 =	rddreg [dreg:$0x3]  }
0x1aa: {  	s0 =	sadd.s32 @!p0 $0x100000, s0  }
0x1ab: {  	[sflag:s0] =	ssyncadd.tile.s32 @!p0 $0x1;
	_ =	shalt  }
.Lfunc_end2:
_tile_overlayer_lowered:
.L_overlay_start_2:
0x1ac: {  	(tag) =	ssettag $0x2  }
0x1ad: {  	s0 =	rddreg [dreg:$0x0];
	s2 =	stileid.u32  }
0x1ae: {  	s1 =	rddreg [dreg:$0x1];
	p0 =	sne.s32 s2, $0x0  }
0x1af: {  	s3 =	rddreg [dreg:$0x2];
	[bflag:$0x3] =	sbarrier.arrive $0xFFFF;
	s2 =	simm.s32 @!p0 $0x1C03  }
0x1b0: {  	[timem:s3], [sflag:s2] =	dma.local @!p0 [hbm:s0], s1  }
0x1b1: {  	s0 =	simm.s32 @!p0 $0x3  }
0x1b2: {  	_ =	swait.ge @!p0 [sflag:s0], s1  }
0x1b3: {  	s1 =	ssub.s32 @!p0 $0x0, s1;
	[sflag:s0] =	ssyncset.done @!p0 $0x0  }
0x1b4: {  	[sflag:s0] =	ssyncadd.s32 @!p0 s1  }
0x1b5: {  	[bflag:$0x3] =	sbarrier.arrive $0xFFFF  }
0x1b6: {  	_ =	shalt  }

</sc_bundles>
